<compile_context>
chip_gen: v7x
topology: tpu7x:2x2x1
jax: 0.10.2.dev20260603
libtpu: 0.0.44.dev20260713+nightly
codegen_flags: <defaults>
</compile_context>

<pallas_src>
import functools

import jax
import jax.numpy as jnp
from jax import lax
from jax.experimental import pallas as pl
from jax.experimental.pallas import tpu as pltpu
from jax.experimental.pallas import tpu_sc as plsc

B = 16384
F = 16
NC = 2
NS = 16
NW = NC * NS
BPW = B // NW
WV = 16


def _mf_body(ue_h, ie_h, ub_h, ib_h, uids_h, iids_h, out_h,
             uidx_v, iidx_v, ublk_v, iblk_v, ub_v, ib_v, o_v,
             s0, s1, s2, s3):
    wid = lax.axis_index("s") * NC + lax.axis_index("c")
    base = wid * BPW

    pltpu.sync_copy(uids_h.at[pl.ds(base, BPW)], uidx_v)
    pltpu.sync_copy(iids_h.at[pl.ds(base, BPW)], iidx_v)
    cub = pltpu.async_copy(ub_h.at[uidx_v], ub_v, s2)
    cib = pltpu.async_copy(ib_h.at[iidx_v], ib_v, s3)

    lanes = lax.iota(jnp.int32, 16)

    def wave(w, carry):
        sl = pl.ds(w * WV, WV)
        uids16 = uidx_v[sl]
        iids16 = iidx_v[sl]
        ut16 = lax.shift_right_logical(uids16, 7) * 128
        it16 = lax.shift_right_logical(iids16, 7) * 128
        for j in range(WV):
            uc = pl.multiple_of(ut16[j], 128)
            ic = pl.multiple_of(it16[j], 128)
            pltpu.async_copy(ue_h.at[:, pl.ds(uc, 128)], ublk_v.at[j], s0)
            pltpu.async_copy(ie_h.at[:, pl.ds(ic, 128)], iblk_v.at[j], s1)
        pltpu.make_async_copy(ue_h.at[:, pl.ds(0, WV * 128)],
                              ublk_v, s0).wait()
        pltpu.make_async_copy(ie_h.at[:, pl.ds(0, WV * 128)],
                              iblk_v, s1).wait()
        ucol = uids16 & 127
        icol = iids16 & 127
        acc = jnp.zeros((16,), jnp.float32)
        for f in range(F):
            fvec = jnp.full((16,), f, jnp.int32)
            uval = plsc.load_gather(ublk_v, [lanes, fvec, ucol])
            ival = plsc.load_gather(iblk_v, [lanes, fvec, icol])
            acc = acc + uval * ival
        o_v[sl] = acc
        return carry

    lax.fori_loop(0, BPW // WV, wave, 0)
    cub.wait()
    cib.wait()

    def addb(g, carry):
        sl = pl.ds(g * 16, 16)
        o_v[sl] = o_v[sl] + ub_v[sl] + ib_v[sl]
        return carry

    lax.fori_loop(0, BPW // 16, addb, 0)
    pltpu.sync_copy(o_v, out_h.at[pl.ds(base, BPW)])


@jax.jit
def _mf(uids, iids, user_embeddings, item_embeddings, user_bias, item_bias):
    mesh = plsc.VectorSubcoreMesh(core_axis_name="c", subcore_axis_name="s",
                                  num_cores=NC, num_subcores=NS)
    return pl.kernel(
        _mf_body,
        out_type=jax.ShapeDtypeStruct((B,), jnp.float32),
        mesh=mesh,
        compiler_params=pltpu.CompilerParams(
            needs_layout_passes=False, use_tc_tiling_on_sc=True),
        scratch_types=[
            pltpu.VMEM((BPW,), jnp.int32),
            pltpu.VMEM((BPW,), jnp.int32),
            pltpu.VMEM((WV, F, 128), jnp.float32),
            pltpu.VMEM((WV, F, 128), jnp.float32),
            pltpu.VMEM((BPW,), jnp.float32),
            pltpu.VMEM((BPW,), jnp.float32),
            pltpu.VMEM((BPW,), jnp.float32),
            pltpu.SemaphoreType.DMA,
            pltpu.SemaphoreType.DMA,
            pltpu.SemaphoreType.DMA,
            pltpu.SemaphoreType.DMA,
        ],
    )(user_embeddings.T, item_embeddings.T,
      user_bias.reshape(-1), item_bias.reshape(-1), uids, iids)


def kernel(uids, iids, user_embeddings, item_embeddings, user_bias, item_bias):
    return _mf(uids, iids, user_embeddings, item_embeddings,
               user_bias, item_bias)

# --- scband reference (transcript-rebuilt; emitter-appended) ---
"""Pipeline reference for scband-mf-43671227465849 (READ-ONLY COPY).

The authoritative reference and input builder live on the scoring server;
editing this copy changes nothing except your own understanding.
"""

import jax, jax.numpy as jnp
import numpy as np

N_USERS = 1000000
N_ITEMS = 1000000
N_FACTORS = 16
BATCH = 16384

def setup_inputs(seed: int = 0) -> dict:
    key = jax.random.key(seed)
    k1, k2, k3, k4 = jax.random.split(key, 4)
    uids = jax.random.randint(k1, (BATCH,), 0, N_USERS, dtype=jnp.int64 if jax.config.jax_enable_x64 else jnp.int32).astype(jnp.int32)
    iids = jax.random.randint(k2, (BATCH,), 0, N_ITEMS, dtype=jnp.int64 if jax.config.jax_enable_x64 else jnp.int32).astype(jnp.int32)
    # ScaledEmbedding: normal init scaled by 1/embedding_dim
    user_embeddings = jax.random.normal(k3, (N_USERS, N_FACTORS), dtype=jnp.float32) / N_FACTORS
    item_embeddings = jax.random.normal(k4, (N_ITEMS, N_FACTORS), dtype=jnp.float32) / N_FACTORS
    # ZeroEmbedding: zero-initialized bias tables
    user_bias = jnp.zeros((N_USERS, 1), dtype=jnp.float32)
    item_bias = jnp.zeros((N_ITEMS, 1), dtype=jnp.float32)
    return {
        "uids": uids,
        "iids": iids,
        "user_embeddings": user_embeddings,
        "item_embeddings": item_embeddings,
        "user_bias": user_bias,
        "item_bias": item_bias,
    }

def reference(uids, iids, user_embeddings, item_embeddings, user_bias, item_bias):
    user_embeds = jnp.take(user_embeddings, uids, axis=0)  # [B, F]
    item_embeds = jnp.take(item_embeddings, iids, axis=0)  # [B, F]
    ub = jnp.take(user_bias, uids, axis=0)  # [B, 1]
    ib = jnp.take(item_bias, iids, axis=0)  # [B, 1]
    dot_product = (user_embeds * item_embeds).sum(axis=1)  # [B]
    return dot_product + jnp.squeeze(ub, axis=-1) + jnp.squeeze(ib, axis=-1)

if __name__ == "__main__":
    import jax
    _d = setup_inputs()
    print(jax.jit(kernel)(*tuple(_d.values())))

</pallas_src>

<mosaic_0001>
#map = affine_map<(d0, d1) -> (0, 0)>
#map1 = affine_map<(d0, d1) -> (0)>
module attributes {stable_mosaic.version = 14 : i64} {
  func.func @_mf_body(%arg0: i32, %arg1: i32, %arg2: memref<16x1000000xf32, #tpu.memory_space<hbm>>, %arg3: memref<16x1000000xf32, #tpu.memory_space<hbm>>, %arg4: memref<1000000xf32, #tpu.memory_space<hbm>>, %arg5: memref<1000000xf32, #tpu.memory_space<hbm>>, %arg6: memref<16384xi32, #tpu.memory_space<hbm>>, %arg7: memref<16384xi32, #tpu.memory_space<hbm>>, %arg8: memref<16384xf32, #tpu.memory_space<hbm>>, %arg9: memref<512xi32, #tpu.memory_space<vmem>>, %arg10: memref<512xi32, #tpu.memory_space<vmem>>, %arg11: memref<16x16x128xf32, #tpu.memory_space<vmem>>, %arg12: memref<16x16x128xf32, #tpu.memory_space<vmem>>, %arg13: memref<512xf32, #tpu.memory_space<vmem>>, %arg14: memref<512xf32, #tpu.memory_space<vmem>>, %arg15: memref<512xf32, #tpu.memory_space<vmem>>, %arg16: memref<!tpu.dma_semaphore, #tpu.memory_space<semaphore_mem>>, %arg17: memref<!tpu.dma_semaphore, #tpu.memory_space<semaphore_mem>>, %arg18: memref<!tpu.dma_semaphore, #tpu.memory_space<semaphore_mem>>, %arg19: memref<!tpu.dma_semaphore, #tpu.memory_space<semaphore_mem>>) attributes {dimension_semantics = [#tpu.dimension_semantics<core_parallel>, #tpu.dimension_semantics<subcore_parallel>], iteration_bounds = array<i64: 2, 16>, scalar_prefetch = 0 : i64, scratch_operands = 11 : i64, tpu.core_type = #tpu.core_type<sc_vector_subcore>, window_params = [{transform_indices = #map}, {transform_indices = #map}, {transform_indices = #map1}, {transform_indices = #map1}, {transform_indices = #map1}, {transform_indices = #map1}, {transform_indices = #map1}]} {
    %mul3A = arith.constant 2 : i32
    %mul3A_0 = arith.muli %arg1, %mul3A : i32
    %add3A = arith.addi %mul3A_0, %arg0 : i32
    %mul3A_1 = arith.constant 512 : i32
    %mul3A_2 = arith.muli %add3A, %mul3A_1 : i32
    "tpu.region"() ({
      %run_scoped3A = tpu.sem_alloc : memref<!tpu.dma_semaphore, #tpu.memory_space<semaphore_mem>>
      %dma_start3A_20 = tpu.memref_slice %arg6[%mul3A_2] : memref<16384xi32, #tpu.memory_space<hbm>> -> memref<512xi32, #tpu.memory_space<hbm>>
      %dma_start3A_21 = tpu.memref_slice %arg6[%mul3A_2] : memref<16384xi32, #tpu.memory_space<hbm>> -> memref<512xi32, #tpu.memory_space<hbm>>
      tpu.enqueue_dma source(%dma_start3A_21 : memref<512xi32, #tpu.memory_space<hbm>>) target(%arg9 : memref<512xi32, #tpu.memory_space<vmem>>) target_semaphore(%run_scoped3A : memref<!tpu.dma_semaphore, #tpu.memory_space<semaphore_mem>>)
      %dma_wait3A_22 = tpu.memref_slice %arg6[%mul3A_2] : memref<16384xi32, #tpu.memory_space<hbm>> -> memref<512xi32, #tpu.memory_space<hbm>>
      %dma_wait3A_23 = tpu.memref_slice %arg6[%mul3A_2] : memref<16384xi32, #tpu.memory_space<hbm>> -> memref<512xi32, #tpu.memory_space<hbm>>
      tpu.wait_dma2 semaphore(%run_scoped3A : memref<!tpu.dma_semaphore, #tpu.memory_space<semaphore_mem>>) src(%dma_wait3A_23 : memref<512xi32, #tpu.memory_space<hbm>>) dst(%arg9 : memref<512xi32, #tpu.memory_space<vmem>>)
      tpu.yield
    }) : () -> ()
    "tpu.region"() ({
      %run_scoped3A = tpu.sem_alloc : memref<!tpu.dma_semaphore, #tpu.memory_space<semaphore_mem>>
      %dma_start3A_20 = tpu.memref_slice %arg7[%mul3A_2] : memref<16384xi32, #tpu.memory_space<hbm>> -> memref<512xi32, #tpu.memory_space<hbm>>
      %dma_start3A_21 = tpu.memref_slice %arg7[%mul3A_2] : memref<16384xi32, #tpu.memory_space<hbm>> -> memref<512xi32, #tpu.memory_space<hbm>>
      tpu.enqueue_dma source(%dma_start3A_21 : memref<512xi32, #tpu.memory_space<hbm>>) target(%arg10 : memref<512xi32, #tpu.memory_space<vmem>>) target_semaphore(%run_scoped3A : memref<!tpu.dma_semaphore, #tpu.memory_space<semaphore_mem>>)
      %dma_wait3A_22 = tpu.memref_slice %arg7[%mul3A_2] : memref<16384xi32, #tpu.memory_space<hbm>> -> memref<512xi32, #tpu.memory_space<hbm>>
      %dma_wait3A_23 = tpu.memref_slice %arg7[%mul3A_2] : memref<16384xi32, #tpu.memory_space<hbm>> -> memref<512xi32, #tpu.memory_space<hbm>>
      tpu.wait_dma2 semaphore(%run_scoped3A : memref<!tpu.dma_semaphore, #tpu.memory_space<semaphore_mem>>) src(%dma_wait3A_23 : memref<512xi32, #tpu.memory_space<hbm>>) dst(%arg10 : memref<512xi32, #tpu.memory_space<vmem>>)
      tpu.yield
    }) : () -> ()
    %dma_start3A = arith.constant 0 : i32
    %dma_start3A_3 = tpu.memref_slice %arg4[%dma_start3A] : memref<1000000xf32, #tpu.memory_space<hbm>> -> memref<1000000xf32, #tpu.memory_space<hbm>>
    tpu.enqueue_indirect_dma source(%dma_start3A_3 : memref<1000000xf32, #tpu.memory_space<hbm>>) target(%arg13 : memref<512xf32, #tpu.memory_space<vmem>>) offsets(%arg9 : memref<512xi32, #tpu.memory_space<vmem>>) semaphore(%arg18 : memref<!tpu.dma_semaphore, #tpu.memory_space<semaphore_mem>>)
    %dma_start3A_4 = arith.constant 0 : i32
    %dma_start3A_5 = tpu.memref_slice %arg5[%dma_start3A_4] : memref<1000000xf32, #tpu.memory_space<hbm>> -> memref<1000000xf32, #tpu.memory_space<hbm>>
    tpu.enqueue_indirect_dma source(%dma_start3A_5 : memref<1000000xf32, #tpu.memory_space<hbm>>) target(%arg14 : memref<512xf32, #tpu.memory_space<vmem>>) offsets(%arg10 : memref<512xi32, #tpu.memory_space<vmem>>) semaphore(%arg19 : memref<!tpu.dma_semaphore, #tpu.memory_space<semaphore_mem>>)
    %iota3A = tpu.iota {dimensions = array<i32: 0>} : vector<16xi32>
    %scan3A = arith.constant 0 : i32
    %scan3A_6 = arith.constant 0 : i32
    %scan3A_7 = arith.constant 32 : i32
    %scan3A_8 = arith.addi %scan3A_6, %scan3A_7 : i32
    %scan3A_9 = arith.constant 1 : i32
    scf.for %scan3A_20 = %scan3A_6 to %scan3A_8 step %scan3A_9  : i32 {
      %mul3A_21 = arith.constant 16 : i32
      %mul3A_22 = arith.muli %scan3A_20, %mul3A_21 : i32
      %get3A = arith.index_cast %mul3A_22 : i32 to index
      %get3A_23 = tpu.vector_load %arg9[%get3A] {strides = array<i32>} : memref<512xi32, #tpu.memory_space<vmem>>, vector<16xi32>,
      %get3A_24 = arith.index_cast %mul3A_22 : i32 to index
      %get3A_25 = tpu.vector_load %arg10[%get3A_24] {strides = array<i32>} : memref<512xi32, #tpu.memory_space<vmem>>, vector<16xi32>,
      %shift_right_logical3A = arith.constant 7 : i32
      %shift_right_logical3A_26 = vector.broadcast %shift_right_logical3A : i32 to vector<16xi32>
      %shift_right_logical3A_27 = arith.shrui %get3A_23, %shift_right_logical3A_26 : vector<16xi32>
      %mul3A_28 = arith.constant 128 : i32
      %mul3A_29 = vector.broadcast %mul3A_28 : i32 to vector<16xi32>
      %mul3A_30 = arith.muli %shift_right_logical3A_27, %mul3A_29 : vector<16xi32>
      %shift_right_logical3A_31 = arith.constant 7 : i32
      %shift_right_logical3A_32 = vector.broadcast %shift_right_logical3A_31 : i32 to vector<16xi32>
      %shift_right_logical3A_33 = arith.shrui %get3A_25, %shift_right_logical3A_32 : vector<16xi32>
      %mul3A_34 = arith.constant 128 : i32
      %mul3A_35 = vector.broadcast %mul3A_34 : i32 to vector<16xi32>
      %mul3A_36 = arith.muli %shift_right_logical3A_33, %mul3A_35 : vector<16xi32>
      %slice3A = vector.extract_strided_slice %mul3A_30 {offsets = [0], sizes = [1], strides = [1]} : vector<16xi32> to vector<1xi32>
      %squeeze3A = vector.extract %slice3A[0] : i32 from vector<1xi32>
      %multiple_of3A = tpu.assume_multiple %squeeze3A, 128 : i32
      %slice3A_37 = vector.extract_strided_slice %mul3A_36 {offsets = [0], sizes = [1], strides = [1]} : vector<16xi32> to vector<1xi32>
      %squeeze3A_38 = vector.extract %slice3A_37[0] : i32 from vector<1xi32>
      %multiple_of3A_39 = tpu.assume_multiple %squeeze3A_38, 128 : i32
      %dma_start3A_40 = arith.constant 0 : i32
      %dma_start3A_41 = arith.constant 0 : i32
      %dma_start3A_42 = arith.constant 0 : i32
      %dma_start3A_43 = tpu.memref_slice %arg11[%dma_start3A_40, %dma_start3A_41, %dma_start3A_42] : memref<16x16x128xf32, #tpu.memory_space<vmem>> -> memref<1x16x128xf32, #tpu.memory_space<vmem>>
      %dma_start3A_44 = tpu.memref_squeeze %dma_start3A_43 : memref<1x16x128xf32, #tpu.memory_space<vmem>> -> memref<16x128xf32, #tpu.memory_space<vmem>>
      %dma_start3A_45 = arith.constant 0 : i32
      %dma_start3A_46 = tpu.memref_slice %arg2[%dma_start3A_45, %multiple_of3A] : memref<16x1000000xf32, #tpu.memory_space<hbm>> -> memref<16x128xf32, #tpu.memory_space<hbm>>
      %dma_start3A_47 = arith.constant 0 : i32
      %dma_start3A_48 = arith.constant 0 : i32
      %dma_start3A_49 = tpu.memref_slice %arg11[%dma_start3A_40, %dma_start3A_47, %dma_start3A_48] : memref<16x16x128xf32, #tpu.memory_space<vmem>> -> memref<1x16x128xf32, #tpu.memory_space<vmem>>
      %dma_start3A_50 = tpu.memref_squeeze %dma_start3A_49 : memref<1x16x128xf32, #tpu.memory_space<vmem>> -> memref<16x128xf32, #tpu.memory_space<vmem>>
      %dma_start3A_51 = arith.constant 0 : i32
      %dma_start3A_52 = tpu.memref_slice %arg2[%dma_start3A_51, %multiple_of3A] : memref<16x1000000xf32, #tpu.memory_space<hbm>> -> memref<16x128xf32, #tpu.memory_space<hbm>>
      tpu.enqueue_dma source(%dma_start3A_52 : memref<16x128xf32, #tpu.memory_space<hbm>>) target(%dma_start3A_50 : memref<16x128xf32, #tpu.memory_space<vmem>>) target_semaphore(%arg16 : memref<!tpu.dma_semaphore, #tpu.memory_space<semaphore_mem>>)
      %dma_start3A_53 = arith.constant 0 : i32
      %dma_start3A_54 = arith.constant 0 : i32
      %dma_start3A_55 = arith.constant 0 : i32
      %dma_start3A_56 = tpu.memref_slice %arg12[%dma_start3A_53, %dma_start3A_54, %dma_start3A_55] : memref<16x16x128xf32, #tpu.memory_space<vmem>> -> memref<1x16x128xf32, #tpu.memory_space<vmem>>
      %dma_start3A_57 = tpu.memref_squeeze %dma_start3A_56 : memref<1x16x128xf32, #tpu.memory_space<vmem>> -> memref<16x128xf32, #tpu.memory_space<vmem>>
      %dma_start3A_58 = arith.constant 0 : i32
      %dma_start3A_59 = tpu.memref_slice %arg3[%dma_start3A_58, %multiple_of3A_39] : memref<16x1000000xf32, #tpu.memory_space<hbm>> -> memref<16x128xf32, #tpu.memory_space<hbm>>
      %dma_start3A_60 = arith.constant 0 : i32
      %dma_start3A_61 = arith.constant 0 : i32
      %dma_start3A_62 = tpu.memref_slice %arg12[%dma_start3A_53, %dma_start3A_60, %dma_start3A_61] : memref<16x16x128xf32, #tpu.memory_space<vmem>> -> memref<1x16x128xf32, #tpu.memory_space<vmem>>
      %dma_start3A_63 = tpu.memref_squeeze %dma_start3A_62 : memref<1x16x128xf32, #tpu.memory_space<vmem>> -> memref<16x128xf32, #tpu.memory_space<vmem>>
      %dma_start3A_64 = arith.constant 0 : i32
      %dma_start3A_65 = tpu.memref_slice %arg3[%dma_start3A_64, %multiple_of3A_39] : memref<16x1000000xf32, #tpu.memory_space<hbm>> -> memref<16x128xf32, #tpu.memory_space<hbm>>
      tpu.enqueue_dma source(%dma_start3A_65 : memref<16x128xf32, #tpu.memory_space<hbm>>) target(%dma_start3A_63 : memref<16x128xf32, #tpu.memory_space<vmem>>) target_semaphore(%arg17 : memref<!tpu.dma_semaphore, #tpu.memory_space<semaphore_mem>>)
      %slice3A_66 = vector.extract_strided_slice %mul3A_30 {offsets = [1], sizes = [1], strides = [1]} : vector<16xi32> to vector<1xi32>
      %squeeze3A_67 = vector.extract %slice3A_66[0] : i32 from vector<1xi32>
      %multiple_of3A_68 = tpu.assume_multiple %squeeze3A_67, 128 : i32
      %slice3A_69 = vector.extract_strided_slice %mul3A_36 {offsets = [1], sizes = [1], strides = [1]} : vector<16xi32> to vector<1xi32>
      %squeeze3A_70 = vector.extract %slice3A_69[0] : i32 from vector<1xi32>
      %multiple_of3A_71 = tpu.assume_multiple %squeeze3A_70, 128 : i32
      %dma_start3A_72 = arith.constant 1 : i32
      %dma_start3A_73 = arith.constant 0 : i32
      %dma_start3A_74 = arith.constant 0 : i32
      %dma_start3A_75 = tpu.memref_slice %arg11[%dma_start3A_72, %dma_start3A_73, %dma_start3A_74] : memref<16x16x128xf32, #tpu.memory_space<vmem>> -> memref<1x16x128xf32, #tpu.memory_space<vmem>>
      %dma_start3A_76 = tpu.memref_squeeze %dma_start3A_75 : memref<1x16x128xf32, #tpu.memory_space<vmem>> -> memref<16x128xf32, #tpu.memory_space<vmem>>
      %dma_start3A_77 = arith.constant 0 : i32
      %dma_start3A_78 = tpu.memref_slice %arg2[%dma_start3A_77, %multiple_of3A_68] : memref<16x1000000xf32, #tpu.memory_space<hbm>> -> memref<16x128xf32, #tpu.memory_space<hbm>>
      %dma_start3A_79 = arith.constant 0 : i32
      %dma_start3A_80 = arith.constant 0 : i32
      %dma_start3A_81 = tpu.memref_slice %arg11[%dma_start3A_72, %dma_start3A_79, %dma_start3A_80] : memref<16x16x128xf32, #tpu.memory_space<vmem>> -> memref<1x16x128xf32, #tpu.memory_space<vmem>>
      %dma_start3A_82 = tpu.memref_squeeze %dma_start3A_81 : memref<1x16x128xf32, #tpu.memory_space<vmem>> -> memref<16x128xf32, #tpu.memory_space<vmem>>
      %dma_start3A_83 = arith.constant 0 : i32
      %dma_start3A_84 = tpu.memref_slice %arg2[%dma_start3A_83, %multiple_of3A_68] : memref<16x1000000xf32, #tpu.memory_space<hbm>> -> memref<16x128xf32, #tpu.memory_space<hbm>>
      tpu.enqueue_dma source(%dma_start3A_84 : memref<16x128xf32, #tpu.memory_space<hbm>>) target(%dma_start3A_82 : memref<16x128xf32, #tpu.memory_space<vmem>>) target_semaphore(%arg16 : memref<!tpu.dma_semaphore, #tpu.memory_space<semaphore_mem>>)
      %dma_start3A_85 = arith.constant 1 : i32
      %dma_start3A_86 = arith.constant 0 : i32
      %dma_start3A_87 = arith.constant 0 : i32
      %dma_start3A_88 = tpu.memref_slice %arg12[%dma_start3A_85, %dma_start3A_86, %dma_start3A_87] : memref<16x16x128xf32, #tpu.memory_space<vmem>> -> memref<1x16x128xf32, #tpu.memory_space<vmem>>
      %dma_start3A_89 = tpu.memref_squeeze %dma_start3A_88 : memref<1x16x128xf32, #tpu.memory_space<vmem>> -> memref<16x128xf32, #tpu.memory_space<vmem>>
      %dma_start3A_90 = arith.constant 0 : i32
      %dma_start3A_91 = tpu.memref_slice %arg3[%dma_start3A_90, %multiple_of3A_71] : memref<16x1000000xf32, #tpu.memory_space<hbm>> -> memref<16x128xf32, #tpu.memory_space<hbm>>
      %dma_start3A_92 = arith.constant 0 : i32
      %dma_start3A_93 = arith.constant 0 : i32
      %dma_start3A_94 = tpu.memref_slice %arg12[%dma_start3A_85, %dma_start3A_92, %dma_start3A_93] : memref<16x16x128xf32, #tpu.memory_space<vmem>> -> memref<1x16x128xf32, #tpu.memory_space<vmem>>
      %dma_start3A_95 = tpu.memref_squeeze %dma_start3A_94 : memref<1x16x128xf32, #tpu.memory_space<vmem>> -> memref<16x128xf32, #tpu.memory_space<vmem>>
      %dma_start3A_96 = arith.constant 0 : i32
      %dma_start3A_97 = tpu.memref_slice %arg3[%dma_start3A_96, %multiple_of3A_71] : memref<16x1000000xf32, #tpu.memory_space<hbm>> -> memref<16x128xf32, #tpu.memory_space<hbm>>
      tpu.enqueue_dma source(%dma_start3A_97 : memref<16x128xf32, #tpu.memory_space<hbm>>) target(%dma_start3A_95 : memref<16x128xf32, #tpu.memory_space<vmem>>) target_semaphore(%arg17 : memref<!tpu.dma_semaphore, #tpu.memory_space<semaphore_mem>>)
      %slice3A_98 = vector.extract_strided_slice %mul3A_30 {offsets = [2], sizes = [1], strides = [1]} : vector<16xi32> to vector<1xi32>
      %squeeze3A_99 = vector.extract %slice3A_98[0] : i32 from vector<1xi32>
      %multiple_of3A_100 = tpu.assume_multiple %squeeze3A_99, 128 : i32
      %slice3A_101 = vector.extract_strided_slice %mul3A_36 {offsets = [2], sizes = [1], strides = [1]} : vector<16xi32> to vector<1xi32>
      %squeeze3A_102 = vector.extract %slice3A_101[0] : i32 from vector<1xi32>
      %multiple_of3A_103 = tpu.assume_multiple %squeeze3A_102, 128 : i32
      %dma_start3A_104 = arith.constant 2 : i32
      %dma_start3A_105 = arith.constant 0 : i32
      %dma_start3A_106 = arith.constant 0 : i32
      %dma_start3A_107 = tpu.memref_slice %arg11[%dma_start3A_104, %dma_start3A_105, %dma_start3A_106] : memref<16x16x128xf32, #tpu.memory_space<vmem>> -> memref<1x16x128xf32, #tpu.memory_space<vmem>>
      %dma_start3A_108 = tpu.memref_squeeze %dma_start3A_107 : memref<1x16x128xf32, #tpu.memory_space<vmem>> -> memref<16x128xf32, #tpu.memory_space<vmem>>
      %dma_start3A_109 = arith.constant 0 : i32
      %dma_start3A_110 = tpu.memref_slice %arg2[%dma_start3A_109, %multiple_of3A_100] : memref<16x1000000xf32, #tpu.memory_space<hbm>> -> memref<16x128xf32, #tpu.memory_space<hbm>>
      %dma_start3A_111 = arith.constant 0 : i32
      %dma_start3A_112 = arith.constant 0 : i32
      %dma_start3A_113 = tpu.memref_slice %arg11[%dma_start3A_104, %dma_start3A_111, %dma_start3A_112] : memref<16x16x128xf32, #tpu.memory_space<vmem>> -> memref<1x16x128xf32, #tpu.memory_space<vmem>>
      %dma_start3A_114 = tpu.memref_squeeze %dma_start3A_113 : memref<1x16x128xf32, #tpu.memory_space<vmem>> -> memref<16x128xf32, #tpu.memory_space<vmem>>
      %dma_start3A_115 = arith.constant 0 : i32
      %dma_start3A_116 = tpu.memref_slice %arg2[%dma_start3A_115, %multiple_of3A_100] : memref<16x1000000xf32, #tpu.memory_space<hbm>> -> memref<16x128xf32, #tpu.memory_space<hbm>>
      tpu.enqueue_dma source(%dma_start3A_116 : memref<16x128xf32, #tpu.memory_space<hbm>>) target(%dma_start3A_114 : memref<16x128xf32, #tpu.memory_space<vmem>>) target_semaphore(%arg16 : memref<!tpu.dma_semaphore, #tpu.memory_space<semaphore_mem>>)
      %dma_start3A_117 = arith.constant 2 : i32
      %dma_start3A_118 = arith.constant 0 : i32
      %dma_start3A_119 = arith.constant 0 : i32
      %dma_start3A_120 = tpu.memref_slice %arg12[%dma_start3A_117, %dma_start3A_118, %dma_start3A_119] : memref<16x16x128xf32, #tpu.memory_space<vmem>> -> memref<1x16x128xf32, #tpu.memory_space<vmem>>
      %dma_start3A_121 = tpu.memref_squeeze %dma_start3A_120 : memref<1x16x128xf32, #tpu.memory_space<vmem>> -> memref<16x128xf32, #tpu.memory_space<vmem>>
      %dma_start3A_122 = arith.constant 0 : i32
      %dma_start3A_123 = tpu.memref_slice %arg3[%dma_start3A_122, %multiple_of3A_103] : memref<16x1000000xf32, #tpu.memory_space<hbm>> -> memref<16x128xf32, #tpu.memory_space<hbm>>
      %dma_start3A_124 = arith.constant 0 : i32
      %dma_start3A_125 = arith.constant 0 : i32
      %dma_start3A_126 = tpu.memref_slice %arg12[%dma_start3A_117, %dma_start3A_124, %dma_start3A_125] : memref<16x16x128xf32, #tpu.memory_space<vmem>> -> memref<1x16x128xf32, #tpu.memory_space<vmem>>
      %dma_start3A_127 = tpu.memref_squeeze %dma_start3A_126 : memref<1x16x128xf32, #tpu.memory_space<vmem>> -> memref<16x128xf32, #tpu.memory_space<vmem>>
      %dma_start3A_128 = arith.constant 0 : i32
      %dma_start3A_129 = tpu.memref_slice %arg3[%dma_start3A_128, %multiple_of3A_103] : memref<16x1000000xf32, #tpu.memory_space<hbm>> -> memref<16x128xf32, #tpu.memory_space<hbm>>
      tpu.enqueue_dma source(%dma_start3A_129 : memref<16x128xf32, #tpu.memory_space<hbm>>) target(%dma_start3A_127 : memref<16x128xf32, #tpu.memory_space<vmem>>) target_semaphore(%arg17 : memref<!tpu.dma_semaphore, #tpu.memory_space<semaphore_mem>>)
      %slice3A_130 = vector.extract_strided_slice %mul3A_30 {offsets = [3], sizes = [1], strides = [1]} : vector<16xi32> to vector<1xi32>
      %squeeze3A_131 = vector.extract %slice3A_130[0] : i32 from vector<1xi32>
      %multiple_of3A_132 = tpu.assume_multiple %squeeze3A_131, 128 : i32
      %slice3A_133 = vector.extract_strided_slice %mul3A_36 {offsets = [3], sizes = [1], strides = [1]} : vector<16xi32> to vector<1xi32>
      %squeeze3A_134 = vector.extract %slice3A_133[0] : i32 from vector<1xi32>
      %multiple_of3A_135 = tpu.assume_multiple %squeeze3A_134, 128 : i32
      %dma_start3A_136 = arith.constant 3 : i32
      %dma_start3A_137 = arith.constant 0 : i32
      %dma_start3A_138 = arith.constant 0 : i32
      %dma_start3A_139 = tpu.memref_slice %arg11[%dma_start3A_136, %dma_start3A_137, %dma_start3A_138] : memref<16x16x128xf32, #tpu.memory_space<vmem>> -> memref<1x16x128xf32, #tpu.memory_space<vmem>>
      %dma_start3A_140 = tpu.memref_squeeze %dma_start3A_139 : memref<1x16x128xf32, #tpu.memory_space<vmem>> -> memref<16x128xf32, #tpu.memory_space<vmem>>
      %dma_start3A_141 = arith.constant 0 : i32
      %dma_start3A_142 = tpu.memref_slice %arg2[%dma_start3A_141, %multiple_of3A_132] : memref<16x1000000xf32, #tpu.memory_space<hbm>> -> memref<16x128xf32, #tpu.memory_space<hbm>>
      %dma_start3A_143 = arith.constant 0 : i32
      %dma_start3A_144 = arith.constant 0 : i32
      %dma_start3A_145 = tpu.memref_slice %arg11[%dma_start3A_136, %dma_start3A_143, %dma_start3A_144] : memref<16x16x128xf32, #tpu.memory_space<vmem>> -> memref<1x16x128xf32, #tpu.memory_space<vmem>>
      %dma_start3A_146 = tpu.memref_squeeze %dma_start3A_145 : memref<1x16x128xf32, #tpu.memory_space<vmem>> -> memref<16x128xf32, #tpu.memory_space<vmem>>
      %dma_start3A_147 = arith.constant 0 : i32
      %dma_start3A_148 = tpu.memref_slice %arg2[%dma_start3A_147, %multiple_of3A_132] : memref<16x1000000xf32, #tpu.memory_space<hbm>> -> memref<16x128xf32, #tpu.memory_space<hbm>>
      tpu.enqueue_dma source(%dma_start3A_148 : memref<16x128xf32, #tpu.memory_space<hbm>>) target(%dma_start3A_146 : memref<16x128xf32, #tpu.memory_space<vmem>>) target_semaphore(%arg16 : memref<!tpu.dma_semaphore, #tpu.memory_space<semaphore_mem>>)
      %dma_start3A_149 = arith.constant 3 : i32
      %dma_start3A_150 = arith.constant 0 : i32
      %dma_start3A_151 = arith.constant 0 : i32
      %dma_start3A_152 = tpu.memref_slice %arg12[%dma_start3A_149, %dma_start3A_150, %dma_start3A_151] : memref<16x16x128xf32, #tpu.memory_space<vmem>> -> memref<1x16x128xf32, #tpu.memory_space<vmem>>
      %dma_start3A_153 = tpu.memref_squeeze %dma_start3A_152 : memref<1x16x128xf32, #tpu.memory_space<vmem>> -> memref<16x128xf32, #tpu.memory_space<vmem>>
      %dma_start3A_154 = arith.constant 0 : i32
      %dma_start3A_155 = tpu.memref_slice %arg3[%dma_start3A_154, %multiple_of3A_135] : memref<16x1000000xf32, #tpu.memory_space<hbm>> -> memref<16x128xf32, #tpu.memory_space<hbm>>
      %dma_start3A_156 = arith.constant 0 : i32
      %dma_start3A_157 = arith.constant 0 : i32
      %dma_start3A_158 = tpu.memref_slice %arg12[%dma_start3A_149, %dma_start3A_156, %dma_start3A_157] : memref<16x16x128xf32, #tpu.memory_space<vmem>> -> memref<1x16x128xf32, #tpu.memory_space<vmem>>
      %dma_start3A_159 = tpu.memref_squeeze %dma_start3A_158 : memref<1x16x128xf32, #tpu.memory_space<vmem>> -> memref<16x128xf32, #tpu.memory_space<vmem>>
      %dma_start3A_160 = arith.constant 0 : i32
      %dma_start3A_161 = tpu.memref_slice %arg3[%dma_start3A_160, %multiple_of3A_135] : memref<16x1000000xf32, #tpu.memory_space<hbm>> -> memref<16x128xf32, #tpu.memory_space<hbm>>
      tpu.enqueue_dma source(%dma_start3A_161 : memref<16x128xf32, #tpu.memory_space<hbm>>) target(%dma_start3A_159 : memref<16x128xf32, #tpu.memory_space<vmem>>) target_semaphore(%arg17 : memref<!tpu.dma_semaphore, #tpu.memory_space<semaphore_mem>>)
      %slice3A_162 = vector.extract_strided_slice %mul3A_30 {offsets = [4], sizes = [1], strides = [1]} : vector<16xi32> to vector<1xi32>
      %squeeze3A_163 = vector.extract %slice3A_162[0] : i32 from vector<1xi32>
      %multiple_of3A_164 = tpu.assume_multiple %squeeze3A_163, 128 : i32
      %slice3A_165 = vector.extract_strided_slice %mul3A_36 {offsets = [4], sizes = [1], strides = [1]} : vector<16xi32> to vector<1xi32>
      %squeeze3A_166 = vector.extract %slice3A_165[0] : i32 from vector<1xi32>
      %multiple_of3A_167 = tpu.assume_multiple %squeeze3A_166, 128 : i32
      %dma_start3A_168 = arith.constant 4 : i32
      %dma_start3A_169 = arith.constant 0 : i32
      %dma_start3A_170 = arith.constant 0 : i32
      %dma_start3A_171 = tpu.memref_slice %arg11[%dma_start3A_168, %dma_start3A_169, %dma_start3A_170] : memref<16x16x128xf32, #tpu.memory_space<vmem>> -> memref<1x16x128xf32, #tpu.memory_space<vmem>>
      %dma_start3A_172 = tpu.memref_squeeze %dma_start3A_171 : memref<1x16x128xf32, #tpu.memory_space<vmem>> -> memref<16x128xf32, #tpu.memory_space<vmem>>
      %dma_start3A_173 = arith.constant 0 : i32
      %dma_start3A_174 = tpu.memref_slice %arg2[%dma_start3A_173, %multiple_of3A_164] : memref<16x1000000xf32, #tpu.memory_space<hbm>> -> memref<16x128xf32, #tpu.memory_space<hbm>>
      %dma_start3A_175 = arith.constant 0 : i32
      %dma_start3A_176 = arith.constant 0 : i32
      %dma_start3A_177 = tpu.memref_slice %arg11[%dma_start3A_168, %dma_start3A_175, %dma_start3A_176] : memref<16x16x128xf32, #tpu.memory_space<vmem>> -> memref<1x16x128xf32, #tpu.memory_space<vmem>>
      %dma_start3A_178 = tpu.memref_squeeze %dma_start3A_177 : memref<1x16x128xf32, #tpu.memory_space<vmem>> -> memref<16x128xf32, #tpu.memory_space<vmem>>
      %dma_start3A_179 = arith.constant 0 : i32
      %dma_start3A_180 = tpu.memref_slice %arg2[%dma_start3A_179, %multiple_of3A_164] : memref<16x1000000xf32, #tpu.memory_space<hbm>> -> memref<16x128xf32, #tpu.memory_space<hbm>>
      tpu.enqueue_dma source(%dma_start3A_180 : memref<16x128xf32, #tpu.memory_space<hbm>>) target(%dma_start3A_178 : memref<16x128xf32, #tpu.memory_space<vmem>>) target_semaphore(%arg16 : memref<!tpu.dma_semaphore, #tpu.memory_space<semaphore_mem>>)
      %dma_start3A_181 = arith.constant 4 : i32
      %dma_start3A_182 = arith.constant 0 : i32
      %dma_start3A_183 = arith.constant 0 : i32
      %dma_start3A_184 = tpu.memref_slice %arg12[%dma_start3A_181, %dma_start3A_182, %dma_start3A_183] : memref<16x16x128xf32, #tpu.memory_space<vmem>> -> memref<1x16x128xf32, #tpu.memory_space<vmem>>
      %dma_start3A_185 = tpu.memref_squeeze %dma_start3A_184 : memref<1x16x128xf32, #tpu.memory_space<vmem>> -> memref<16x128xf32, #tpu.memory_space<vmem>>
      %dma_start3A_186 = arith.constant 0 : i32
      %dma_start3A_187 = tpu.memref_slice %arg3[%dma_start3A_186, %multiple_of3A_167] : memref<16x1000000xf32, #tpu.memory_space<hbm>> -> memref<16x128xf32, #tpu.memory_space<hbm>>
      %dma_start3A_188 = arith.constant 0 : i32
      %dma_start3A_189 = arith.constant 0 : i32
      %dma_start3A_190 = tpu.memref_slice %arg12[%dma_start3A_181, %dma_start3A_188, %dma_start3A_189] : memref<16x16x128xf32, #tpu.memory_space<vmem>> -> memref<1x16x128xf32, #tpu.memory_space<vmem>>
      %dma_start3A_191 = tpu.memref_squeeze %dma_start3A_190 : memref<1x16x128xf32, #tpu.memory_space<vmem>> -> memref<16x128xf32, #tpu.memory_space<vmem>>
      %dma_start3A_192 = arith.constant 0 : i32
      %dma_start3A_193 = tpu.memref_slice %arg3[%dma_start3A_192, %multiple_of3A_167] : memref<16x1000000xf32, #tpu.memory_space<hbm>> -> memref<16x128xf32, #tpu.memory_space<hbm>>
      tpu.enqueue_dma source(%dma_start3A_193 : memref<16x128xf32, #tpu.memory_space<hbm>>) target(%dma_start3A_191 : memref<16x128xf32, #tpu.memory_space<vmem>>) target_semaphore(%arg17 : memref<!tpu.dma_semaphore, #tpu.memory_space<semaphore_mem>>)
      %slice3A_194 = vector.extract_strided_slice %mul3A_30 {offsets = [5], sizes = [1], strides = [1]} : vector<16xi32> to vector<1xi32>
      %squeeze3A_195 = vector.extract %slice3A_194[0] : i32 from vector<1xi32>
      %multiple_of3A_196 = tpu.assume_multiple %squeeze3A_195, 128 : i32
      %slice3A_197 = vector.extract_strided_slice %mul3A_36 {offsets = [5], sizes = [1], strides = [1]} : vector<16xi32> to vector<1xi32>
      %squeeze3A_198 = vector.extract %slice3A_197[0] : i32 from vector<1xi32>
      %multiple_of3A_199 = tpu.assume_multiple %squeeze3A_198, 128 : i32
      %dma_start3A_200 = arith.constant 5 : i32
      %dma_start3A_201 = arith.constant 0 : i32
      %dma_start3A_202 = arith.constant 0 : i32
      %dma_start3A_203 = tpu.memref_slice %arg11[%dma_start3A_200, %dma_start3A_201, %dma_start3A_202] : memref<16x16x128xf32, #tpu.memory_space<vmem>> -> memref<1x16x128xf32, #tpu.memory_space<vmem>>
      %dma_start3A_204 = tpu.memref_squeeze %dma_start3A_203 : memref<1x16x128xf32, #tpu.memory_space<vmem>> -> memref<16x128xf32, #tpu.memory_space<vmem>>
      %dma_start3A_205 = arith.constant 0 : i32
      %dma_start3A_206 = tpu.memref_slice %arg2[%dma_start3A_205, %multiple_of3A_196] : memref<16x1000000xf32, #tpu.memory_space<hbm>> -> memref<16x128xf32, #tpu.memory_space<hbm>>
      %dma_start3A_207 = arith.constant 0 : i32
      %dma_start3A_208 = arith.constant 0 : i32
      %dma_start3A_209 = tpu.memref_slice %arg11[%dma_start3A_200, %dma_start3A_207, %dma_start3A_208] : memref<16x16x128xf32, #tpu.memory_space<vmem>> -> memref<1x16x128xf32, #tpu.memory_space<vmem>>
      %dma_start3A_210 = tpu.memref_squeeze %dma_start3A_209 : memref<1x16x128xf32, #tpu.memory_space<vmem>> -> memref<16x128xf32, #tpu.memory_space<vmem>>
      %dma_start3A_211 = arith.constant 0 : i32
      %dma_start3A_212 = tpu.memref_slice %arg2[%dma_start3A_211, %multiple_of3A_196] : memref<16x1000000xf32, #tpu.memory_space<hbm>> -> memref<16x128xf32, #tpu.memory_space<hbm>>
      tpu.enqueue_dma source(%dma_start3A_212 : memref<16x128xf32, #tpu.memory_space<hbm>>) target(%dma_start3A_210 : memref<16x128xf32, #tpu.memory_space<vmem>>) target_semaphore(%arg16 : memref<!tpu.dma_semaphore, #tpu.memory_space<semaphore_mem>>)
      %dma_start3A_213 = arith.constant 5 : i32
      %dma_start3A_214 = arith.constant 0 : i32
      %dma_start3A_215 = arith.constant 0 : i32
      %dma_start3A_216 = tpu.memref_slice %arg12[%dma_start3A_213, %dma_start3A_214, %dma_start3A_215] : memref<16x16x128xf32, #tpu.memory_space<vmem>> -> memref<1x16x128xf32, #tpu.memory_space<vmem>>
      %dma_start3A_217 = tpu.memref_squeeze %dma_start3A_216 : memref<1x16x128xf32, #tpu.memory_space<vmem>> -> memref<16x128xf32, #tpu.memory_space<vmem>>
      %dma_start3A_218 = arith.constant 0 : i32
      %dma_start3A_219 = tpu.memref_slice %arg3[%dma_start3A_218, %multiple_of3A_199] : memref<16x1000000xf32, #tpu.memory_space<hbm>> -> memref<16x128xf32, #tpu.memory_space<hbm>>
      %dma_start3A_220 = arith.constant 0 : i32
      %dma_start3A_221 = arith.constant 0 : i32
      %dma_start3A_222 = tpu.memref_slice %arg12[%dma_start3A_213, %dma_start3A_220, %dma_start3A_221] : memref<16x16x128xf32, #tpu.memory_space<vmem>> -> memref<1x16x128xf32, #tpu.memory_space<vmem>>
      %dma_start3A_223 = tpu.memref_squeeze %dma_start3A_222 : memref<1x16x128xf32, #tpu.memory_space<vmem>> -> memref<16x128xf32, #tpu.memory_space<vmem>>
      %dma_start3A_224 = arith.constant 0 : i32
      %dma_start3A_225 = tpu.memref_slice %arg3[%dma_start3A_224, %multiple_of3A_199] : memref<16x1000000xf32, #tpu.memory_space<hbm>> -> memref<16x128xf32, #tpu.memory_space<hbm>>
      tpu.enqueue_dma source(%dma_start3A_225 : memref<16x128xf32, #tpu.memory_space<hbm>>) target(%dma_start3A_223 : memref<16x128xf32, #tpu.memory_space<vmem>>) target_semaphore(%arg17 : memref<!tpu.dma_semaphore, #tpu.memory_space<semaphore_mem>>)
      %slice3A_226 = vector.extract_strided_slice %mul3A_30 {offsets = [6], sizes = [1], strides = [1]} : vector<16xi32> to vector<1xi32>
      %squeeze3A_227 = vector.extract %slice3A_226[0] : i32 from vector<1xi32>
      %multiple_of3A_228 = tpu.assume_multiple %squeeze3A_227, 128 : i32
      %slice3A_229 = vector.extract_strided_slice %mul3A_36 {offsets = [6], sizes = [1], strides = [1]} : vector<16xi32> to vector<1xi32>
      %squeeze3A_230 = vector.extract %slice3A_229[0] : i32 from vector<1xi32>
      %multiple_of3A_231 = tpu.assume_multiple %squeeze3A_230, 128 : i32
      %dma_start3A_232 = arith.constant 6 : i32
      %dma_start3A_233 = arith.constant 0 : i32
      %dma_start3A_234 = arith.constant 0 : i32
      %dma_start3A_235 = tpu.memref_slice %arg11[%dma_start3A_232, %dma_start3A_233, %dma_start3A_234] : memref<16x16x128xf32, #tpu.memory_space<vmem>> -> memref<1x16x128xf32, #tpu.memory_space<vmem>>
      %dma_start3A_236 = tpu.memref_squeeze %dma_start3A_235 : memref<1x16x128xf32, #tpu.memory_space<vmem>> -> memref<16x128xf32, #tpu.memory_space<vmem>>
      %dma_start3A_237 = arith.constant 0 : i32
      %dma_start3A_238 = tpu.memref_slice %arg2[%dma_start3A_237, %multiple_of3A_228] : memref<16x1000000xf32, #tpu.memory_space<hbm>> -> memref<16x128xf32, #tpu.memory_space<hbm>>
      %dma_start3A_239 = arith.constant 0 : i32
      %dma_start3A_240 = arith.constant 0 : i32
      %dma_start3A_241 = tpu.memref_slice %arg11[%dma_start3A_232, %dma_start3A_239, %dma_start3A_240] : memref<16x16x128xf32, #tpu.memory_space<vmem>> -> memref<1x16x128xf32, #tpu.memory_space<vmem>>
      %dma_start3A_242 = tpu.memref_squeeze %dma_start3A_241 : memref<1x16x128xf32, #tpu.memory_space<vmem>> -> memref<16x128xf32, #tpu.memory_space<vmem>>
      %dma_start3A_243 = arith.constant 0 : i32
      %dma_start3A_244 = tpu.memref_slice %arg2[%dma_start3A_243, %multiple_of3A_228] : memref<16x1000000xf32, #tpu.memory_space<hbm>> -> memref<16x128xf32, #tpu.memory_space<hbm>>
      tpu.enqueue_dma source(%dma_start3A_244 : memref<16x128xf32, #tpu.memory_space<hbm>>) target(%dma_start3A_242 : memref<16x128xf32, #tpu.memory_space<vmem>>) target_semaphore(%arg16 : memref<!tpu.dma_semaphore, #tpu.memory_space<semaphore_mem>>)
      %dma_start3A_245 = arith.constant 6 : i32
      %dma_start3A_246 = arith.constant 0 : i32
      %dma_start3A_247 = arith.constant 0 : i32
      %dma_start3A_248 = tpu.memref_slice %arg12[%dma_start3A_245, %dma_start3A_246, %dma_start3A_247] : memref<16x16x128xf32, #tpu.memory_space<vmem>> -> memref<1x16x128xf32, #tpu.memory_space<vmem>>
      %dma_start3A_249 = tpu.memref_squeeze %dma_start3A_248 : memref<1x16x128xf32, #tpu.memory_space<vmem>> -> memref<16x128xf32, #tpu.memory_space<vmem>>
      %dma_start3A_250 = arith.constant 0 : i32
      %dma_start3A_251 = tpu.memref_slice %arg3[%dma_start3A_250, %multiple_of3A_231] : memref<16x1000000xf32, #tpu.memory_space<hbm>> -> memref<16x128xf32, #tpu.memory_space<hbm>>
      %dma_start3A_252 = arith.constant 0 : i32
      %dma_start3A_253 = arith.constant 0 : i32
      %dma_start3A_254 = tpu.memref_slice %arg12[%dma_start3A_245, %dma_start3A_252, %dma_start3A_253] : memref<16x16x128xf32, #tpu.memory_space<vmem>> -> memref<1x16x128xf32, #tpu.memory_space<vmem>>
      %dma_start3A_255 = tpu.memref_squeeze %dma_start3A_254 : memref<1x16x128xf32, #tpu.memory_space<vmem>> -> memref<16x128xf32, #tpu.memory_space<vmem>>
      %dma_start3A_256 = arith.constant 0 : i32
      %dma_start3A_257 = tpu.memref_slice %arg3[%dma_start3A_256, %multiple_of3A_231] : memref<16x1000000xf32, #tpu.memory_space<hbm>> -> memref<16x128xf32, #tpu.memory_space<hbm>>
      tpu.enqueue_dma source(%dma_start3A_257 : memref<16x128xf32, #tpu.memory_space<hbm>>) target(%dma_start3A_255 : memref<16x128xf32, #tpu.memory_space<vmem>>) target_semaphore(%arg17 : memref<!tpu.dma_semaphore, #tpu.memory_space<semaphore_mem>>)
      %slice3A_258 = vector.extract_strided_slice %mul3A_30 {offsets = [7], sizes = [1], strides = [1]} : vector<16xi32> to vector<1xi32>
      %squeeze3A_259 = vector.extract %slice3A_258[0] : i32 from vector<1xi32>
      %multiple_of3A_260 = tpu.assume_multiple %squeeze3A_259, 128 : i32
      %slice3A_261 = vector.extract_strided_slice %mul3A_36 {offsets = [7], sizes = [1], strides = [1]} : vector<16xi32> to vector<1xi32>
      %squeeze3A_262 = vector.extract %slice3A_261[0] : i32 from vector<1xi32>
      %multiple_of3A_263 = tpu.assume_multiple %squeeze3A_262, 128 : i32
      %dma_start3A_264 = arith.constant 7 : i32
      %dma_start3A_265 = arith.constant 0 : i32
      %dma_start3A_266 = arith.constant 0 : i32
      %dma_start3A_267 = tpu.memref_slice %arg11[%dma_start3A_264, %dma_start3A_265, %dma_start3A_266] : memref<16x16x128xf32, #tpu.memory_space<vmem>> -> memref<1x16x128xf32, #tpu.memory_space<vmem>>
      %dma_start3A_268 = tpu.memref_squeeze %dma_start3A_267 : memref<1x16x128xf32, #tpu.memory_space<vmem>> -> memref<16x128xf32, #tpu.memory_space<vmem>>
      %dma_start3A_269 = arith.constant 0 : i32
      %dma_start3A_270 = tpu.memref_slice %arg2[%dma_start3A_269, %multiple_of3A_260] : memref<16x1000000xf32, #tpu.memory_space<hbm>> -> memref<16x128xf32, #tpu.memory_space<hbm>>
      %dma_start3A_271 = arith.constant 0 : i32
      %dma_start3A_272 = arith.constant 0 : i32
      %dma_start3A_273 = tpu.memref_slice %arg11[%dma_start3A_264, %dma_start3A_271, %dma_start3A_272] : memref<16x16x128xf32, #tpu.memory_space<vmem>> -> memref<1x16x128xf32, #tpu.memory_space<vmem>>
      %dma_start3A_274 = tpu.memref_squeeze %dma_start3A_273 : memref<1x16x128xf32, #tpu.memory_space<vmem>> -> memref<16x128xf32, #tpu.memory_space<vmem>>
      %dma_start3A_275 = arith.constant 0 : i32
      %dma_start3A_276 = tpu.memref_slice %arg2[%dma_start3A_275, %multiple_of3A_260] : memref<16x1000000xf32, #tpu.memory_space<hbm>> -> memref<16x128xf32, #tpu.memory_space<hbm>>
      tpu.enqueue_dma source(%dma_start3A_276 : memref<16x128xf32, #tpu.memory_space<hbm>>) target(%dma_start3A_274 : memref<16x128xf32, #tpu.memory_space<vmem>>) target_semaphore(%arg16 : memref<!tpu.dma_semaphore, #tpu.memory_space<semaphore_mem>>)
      %dma_start3A_277 = arith.constant 7 : i32
      %dma_start3A_278 = arith.constant 0 : i32
      %dma_start3A_279 = arith.constant 0 : i32
      %dma_start3A_280 = tpu.memref_slice %arg12[%dma_start3A_277, %dma_start3A_278, %dma_start3A_279] : memref<16x16x128xf32, #tpu.memory_space<vmem>> -> memref<1x16x128xf32, #tpu.memory_space<vmem>>
      %dma_start3A_281 = tpu.memref_squeeze %dma_start3A_280 : memref<1x16x128xf32, #tpu.memory_space<vmem>> -> memref<16x128xf32, #tpu.memory_space<vmem>>
      %dma_start3A_282 = arith.constant 0 : i32
      %dma_start3A_283 = tpu.memref_slice %arg3[%dma_start3A_282, %multiple_of3A_263] : memref<16x1000000xf32, #tpu.memory_space<hbm>> -> memref<16x128xf32, #tpu.memory_space<hbm>>
      %dma_start3A_284 = arith.constant 0 : i32
      %dma_start3A_285 = arith.constant 0 : i32
      %dma_start3A_286 = tpu.memref_slice %arg12[%dma_start3A_277, %dma_start3A_284, %dma_start3A_285] : memref<16x16x128xf32, #tpu.memory_space<vmem>> -> memref<1x16x128xf32, #tpu.memory_space<vmem>>
      %dma_start3A_287 = tpu.memref_squeeze %dma_start3A_286 : memref<1x16x128xf32, #tpu.memory_space<vmem>> -> memref<16x128xf32, #tpu.memory_space<vmem>>
      %dma_start3A_288 = arith.constant 0 : i32
      %dma_start3A_289 = tpu.memref_slice %arg3[%dma_start3A_288, %multiple_of3A_263] : memref<16x1000000xf32, #tpu.memory_space<hbm>> -> memref<16x128xf32, #tpu.memory_space<hbm>>
      tpu.enqueue_dma source(%dma_start3A_289 : memref<16x128xf32, #tpu.memory_space<hbm>>) target(%dma_start3A_287 : memref<16x128xf32, #tpu.memory_space<vmem>>) target_semaphore(%arg17 : memref<!tpu.dma_semaphore, #tpu.memory_space<semaphore_mem>>)
      %slice3A_290 = vector.extract_strided_slice %mul3A_30 {offsets = [8], sizes = [1], strides = [1]} : vector<16xi32> to vector<1xi32>
      %squeeze3A_291 = vector.extract %slice3A_290[0] : i32 from vector<1xi32>
      %multiple_of3A_292 = tpu.assume_multiple %squeeze3A_291, 128 : i32
      %slice3A_293 = vector.extract_strided_slice %mul3A_36 {offsets = [8], sizes = [1], strides = [1]} : vector<16xi32> to vector<1xi32>
      %squeeze3A_294 = vector.extract %slice3A_293[0] : i32 from vector<1xi32>
      %multiple_of3A_295 = tpu.assume_multiple %squeeze3A_294, 128 : i32
      %dma_start3A_296 = arith.constant 8 : i32
      %dma_start3A_297 = arith.constant 0 : i32
      %dma_start3A_298 = arith.constant 0 : i32
      %dma_start3A_299 = tpu.memref_slice %arg11[%dma_start3A_296, %dma_start3A_297, %dma_start3A_298] : memref<16x16x128xf32, #tpu.memory_space<vmem>> -> memref<1x16x128xf32, #tpu.memory_space<vmem>>
      %dma_start3A_300 = tpu.memref_squeeze %dma_start3A_299 : memref<1x16x128xf32, #tpu.memory_space<vmem>> -> memref<16x128xf32, #tpu.memory_space<vmem>>
      %dma_start3A_301 = arith.constant 0 : i32
      %dma_start3A_302 = tpu.memref_slice %arg2[%dma_start3A_301, %multiple_of3A_292] : memref<16x1000000xf32, #tpu.memory_space<hbm>> -> memref<16x128xf32, #tpu.memory_space<hbm>>
      %dma_start3A_303 = arith.constant 0 : i32
      %dma_start3A_304 = arith.constant 0 : i32
      %dma_start3A_305 = tpu.memref_slice %arg11[%dma_start3A_296, %dma_start3A_303, %dma_start3A_304] : memref<16x16x128xf32, #tpu.memory_space<vmem>> -> memref<1x16x128xf32, #tpu.memory_space<vmem>>
      %dma_start3A_306 = tpu.memref_squeeze %dma_start3A_305 : memref<1x16x128xf32, #tpu.memory_space<vmem>> -> memref<16x128xf32, #tpu.memory_space<vmem>>
      %dma_start3A_307 = arith.constant 0 : i32
      %dma_start3A_308 = tpu.memref_slice %arg2[%dma_start3A_307, %multiple_of3A_292] : memref<16x1000000xf32, #tpu.memory_space<hbm>> -> memref<16x128xf32, #tpu.memory_space<hbm>>
      tpu.enqueue_dma source(%dma_start3A_308 : memref<16x128xf32, #tpu.memory_space<hbm>>) target(%dma_start3A_306 : memref<16x128xf32, #tpu.memory_space<vmem>>) target_semaphore(%arg16 : memref<!tpu.dma_semaphore, #tpu.memory_space<semaphore_mem>>)
      %dma_start3A_309 = arith.constant 8 : i32
      %dma_start3A_310 = arith.constant 0 : i32
      %dma_start3A_311 = arith.constant 0 : i32
      %dma_start3A_312 = tpu.memref_slice %arg12[%dma_start3A_309, %dma_start3A_310, %dma_start3A_311] : memref<16x16x128xf32, #tpu.memory_space<vmem>> -> memref<1x16x128xf32, #tpu.memory_space<vmem>>
      %dma_start3A_313 = tpu.memref_squeeze %dma_start3A_312 : memref<1x16x128xf32, #tpu.memory_space<vmem>> -> memref<16x128xf32, #tpu.memory_space<vmem>>
      %dma_start3A_314 = arith.constant 0 : i32
      %dma_start3A_315 = tpu.memref_slice %arg3[%dma_start3A_314, %multiple_of3A_295] : memref<16x1000000xf32, #tpu.memory_space<hbm>> -> memref<16x128xf32, #tpu.memory_space<hbm>>
      %dma_start3A_316 = arith.constant 0 : i32
      %dma_start3A_317 = arith.constant 0 : i32
      %dma_start3A_318 = tpu.memref_slice %arg12[%dma_start3A_309, %dma_start3A_316, %dma_start3A_317] : memref<16x16x128xf32, #tpu.memory_space<vmem>> -> memref<1x16x128xf32, #tpu.memory_space<vmem>>
      %dma_start3A_319 = tpu.memref_squeeze %dma_start3A_318 : memref<1x16x128xf32, #tpu.memory_space<vmem>> -> memref<16x128xf32, #tpu.memory_space<vmem>>
      %dma_start3A_320 = arith.constant 0 : i32
      %dma_start3A_321 = tpu.memref_slice %arg3[%dma_start3A_320, %multiple_of3A_295] : memref<16x1000000xf32, #tpu.memory_space<hbm>> -> memref<16x128xf32, #tpu.memory_space<hbm>>
      tpu.enqueue_dma source(%dma_start3A_321 : memref<16x128xf32, #tpu.memory_space<hbm>>) target(%dma_start3A_319 : memref<16x128xf32, #tpu.memory_space<vmem>>) target_semaphore(%arg17 : memref<!tpu.dma_semaphore, #tpu.memory_space<semaphore_mem>>)
      %slice3A_322 = vector.extract_strided_slice %mul3A_30 {offsets = [9], sizes = [1], strides = [1]} : vector<16xi32> to vector<1xi32>
      %squeeze3A_323 = vector.extract %slice3A_322[0] : i32 from vector<1xi32>
      %multiple_of3A_324 = tpu.assume_multiple %squeeze3A_323, 128 : i32
      %slice3A_325 = vector.extract_strided_slice %mul3A_36 {offsets = [9], sizes = [1], strides = [1]} : vector<16xi32> to vector<1xi32>
      %squeeze3A_326 = vector.extract %slice3A_325[0] : i32 from vector<1xi32>
      %multiple_of3A_327 = tpu.assume_multiple %squeeze3A_326, 128 : i32
      %dma_start3A_328 = arith.constant 9 : i32
      %dma_start3A_329 = arith.constant 0 : i32
      %dma_start3A_330 = arith.constant 0 : i32
      %dma_start3A_331 = tpu.memref_slice %arg11[%dma_start3A_328, %dma_start3A_329, %dma_start3A_330] : memref<16x16x128xf32, #tpu.memory_space<vmem>> -> memref<1x16x128xf32, #tpu.memory_space<vmem>>
      %dma_start3A_332 = tpu.memref_squeeze %dma_start3A_331 : memref<1x16x128xf32, #tpu.memory_space<vmem>> -> memref<16x128xf32, #tpu.memory_space<vmem>>
      %dma_start3A_333 = arith.constant 0 : i32
      %dma_start3A_334 = tpu.memref_slice %arg2[%dma_start3A_333, %multiple_of3A_324] : memref<16x1000000xf32, #tpu.memory_space<hbm>> -> memref<16x128xf32, #tpu.memory_space<hbm>>
      %dma_start3A_335 = arith.constant 0 : i32
      %dma_start3A_336 = arith.constant 0 : i32
      %dma_start3A_337 = tpu.memref_slice %arg11[%dma_start3A_328, %dma_start3A_335, %dma_start3A_336] : memref<16x16x128xf32, #tpu.memory_space<vmem>> -> memref<1x16x128xf32, #tpu.memory_space<vmem>>
      %dma_start3A_338 = tpu.memref_squeeze %dma_start3A_337 : memref<1x16x128xf32, #tpu.memory_space<vmem>> -> memref<16x128xf32, #tpu.memory_space<vmem>>
      %dma_start3A_339 = arith.constant 0 : i32
      %dma_start3A_340 = tpu.memref_slice %arg2[%dma_start3A_339, %multiple_of3A_324] : memref<16x1000000xf32, #tpu.memory_space<hbm>> -> memref<16x128xf32, #tpu.memory_space<hbm>>
      tpu.enqueue_dma source(%dma_start3A_340 : memref<16x128xf32, #tpu.memory_space<hbm>>) target(%dma_start3A_338 : memref<16x128xf32, #tpu.memory_space<vmem>>) target_semaphore(%arg16 : memref<!tpu.dma_semaphore, #tpu.memory_space<semaphore_mem>>)
      %dma_start3A_341 = arith.constant 9 : i32
      %dma_start3A_342 = arith.constant 0 : i32
      %dma_start3A_343 = arith.constant 0 : i32
      %dma_start3A_344 = tpu.memref_slice %arg12[%dma_start3A_341, %dma_start3A_342, %dma_start3A_343] : memref<16x16x128xf32, #tpu.memory_space<vmem>> -> memref<1x16x128xf32, #tpu.memory_space<vmem>>
      %dma_start3A_345 = tpu.memref_squeeze %dma_start3A_344 : memref<1x16x128xf32, #tpu.memory_space<vmem>> -> memref<16x128xf32, #tpu.memory_space<vmem>>
      %dma_start3A_346 = arith.constant 0 : i32
      %dma_start3A_347 = tpu.memref_slice %arg3[%dma_start3A_346, %multiple_of3A_327] : memref<16x1000000xf32, #tpu.memory_space<hbm>> -> memref<16x128xf32, #tpu.memory_space<hbm>>
      %dma_start3A_348 = arith.constant 0 : i32
      %dma_start3A_349 = arith.constant 0 : i32
      %dma_start3A_350 = tpu.memref_slice %arg12[%dma_start3A_341, %dma_start3A_348, %dma_start3A_349] : memref<16x16x128xf32, #tpu.memory_space<vmem>> -> memref<1x16x128xf32, #tpu.memory_space<vmem>>
      %dma_start3A_351 = tpu.memref_squeeze %dma_start3A_350 : memref<1x16x128xf32, #tpu.memory_space<vmem>> -> memref<16x128xf32, #tpu.memory_space<vmem>>
      %dma_start3A_352 = arith.constant 0 : i32
      %dma_start3A_353 = tpu.memref_slice %arg3[%dma_start3A_352, %multiple_of3A_327] : memref<16x1000000xf32, #tpu.memory_space<hbm>> -> memref<16x128xf32, #tpu.memory_space<hbm>>
      tpu.enqueue_dma source(%dma_start3A_353 : memref<16x128xf32, #tpu.memory_space<hbm>>) target(%dma_start3A_351 : memref<16x128xf32, #tpu.memory_space<vmem>>) target_semaphore(%arg17 : memref<!tpu.dma_semaphore, #tpu.memory_space<semaphore_mem>>)
      %slice3A_354 = vector.extract_strided_slice %mul3A_30 {offsets = [10], sizes = [1], strides = [1]} : vector<16xi32> to vector<1xi32>
      %squeeze3A_355 = vector.extract %slice3A_354[0] : i32 from vector<1xi32>
      %multiple_of3A_356 = tpu.assume_multiple %squeeze3A_355, 128 : i32
      %slice3A_357 = vector.extract_strided_slice %mul3A_36 {offsets = [10], sizes = [1], strides = [1]} : vector<16xi32> to vector<1xi32>
      %squeeze3A_358 = vector.extract %slice3A_357[0] : i32 from vector<1xi32>
      %multiple_of3A_359 = tpu.assume_multiple %squeeze3A_358, 128 : i32
      %dma_start3A_360 = arith.constant 10 : i32
      %dma_start3A_361 = arith.constant 0 : i32
      %dma_start3A_362 = arith.constant 0 : i32
      %dma_start3A_363 = tpu.memref_slice %arg11[%dma_start3A_360, %dma_start3A_361, %dma_start3A_362] : memref<16x16x128xf32, #tpu.memory_space<vmem>> -> memref<1x16x128xf32, #tpu.memory_space<vmem>>
      %dma_start3A_364 = tpu.memref_squeeze %dma_start3A_363 : memref<1x16x128xf32, #tpu.memory_space<vmem>> -> memref<16x128xf32, #tpu.memory_space<vmem>>
      %dma_start3A_365 = arith.constant 0 : i32
      %dma_start3A_366 = tpu.memref_slice %arg2[%dma_start3A_365, %multiple_of3A_356] : memref<16x1000000xf32, #tpu.memory_space<hbm>> -> memref<16x128xf32, #tpu.memory_space<hbm>>
      %dma_start3A_367 = arith.constant 0 : i32
      %dma_start3A_368 = arith.constant 0 : i32
      %dma_start3A_369 = tpu.memref_slice %arg11[%dma_start3A_360, %dma_start3A_367, %dma_start3A_368] : memref<16x16x128xf32, #tpu.memory_space<vmem>> -> memref<1x16x128xf32, #tpu.memory_space<vmem>>
      %dma_start3A_370 = tpu.memref_squeeze %dma_start3A_369 : memref<1x16x128xf32, #tpu.memory_space<vmem>> -> memref<16x128xf32, #tpu.memory_space<vmem>>
      %dma_start3A_371 = arith.constant 0 : i32
      %dma_start3A_372 = tpu.memref_slice %arg2[%dma_start3A_371, %multiple_of3A_356] : memref<16x1000000xf32, #tpu.memory_space<hbm>> -> memref<16x128xf32, #tpu.memory_space<hbm>>
      tpu.enqueue_dma source(%dma_start3A_372 : memref<16x128xf32, #tpu.memory_space<hbm>>) target(%dma_start3A_370 : memref<16x128xf32, #tpu.memory_space<vmem>>) target_semaphore(%arg16 : memref<!tpu.dma_semaphore, #tpu.memory_space<semaphore_mem>>)
      %dma_start3A_373 = arith.constant 10 : i32
      %dma_start3A_374 = arith.constant 0 : i32
      %dma_start3A_375 = arith.constant 0 : i32
      %dma_start3A_376 = tpu.memref_slice %arg12[%dma_start3A_373, %dma_start3A_374, %dma_start3A_375] : memref<16x16x128xf32, #tpu.memory_space<vmem>> -> memref<1x16x128xf32, #tpu.memory_space<vmem>>
      %dma_start3A_377 = tpu.memref_squeeze %dma_start3A_376 : memref<1x16x128xf32, #tpu.memory_space<vmem>> -> memref<16x128xf32, #tpu.memory_space<vmem>>
      %dma_start3A_378 = arith.constant 0 : i32
      %dma_start3A_379 = tpu.memref_slice %arg3[%dma_start3A_378, %multiple_of3A_359] : memref<16x1000000xf32, #tpu.memory_space<hbm>> -> memref<16x128xf32, #tpu.memory_space<hbm>>
      %dma_start3A_380 = arith.constant 0 : i32
      %dma_start3A_381 = arith.constant 0 : i32
      %dma_start3A_382 = tpu.memref_slice %arg12[%dma_start3A_373, %dma_start3A_380, %dma_start3A_381] : memref<16x16x128xf32, #tpu.memory_space<vmem>> -> memref<1x16x128xf32, #tpu.memory_space<vmem>>
      %dma_start3A_383 = tpu.memref_squeeze %dma_start3A_382 : memref<1x16x128xf32, #tpu.memory_space<vmem>> -> memref<16x128xf32, #tpu.memory_space<vmem>>
      %dma_start3A_384 = arith.constant 0 : i32
      %dma_start3A_385 = tpu.memref_slice %arg3[%dma_start3A_384, %multiple_of3A_359] : memref<16x1000000xf32, #tpu.memory_space<hbm>> -> memref<16x128xf32, #tpu.memory_space<hbm>>
      tpu.enqueue_dma source(%dma_start3A_385 : memref<16x128xf32, #tpu.memory_space<hbm>>) target(%dma_start3A_383 : memref<16x128xf32, #tpu.memory_space<vmem>>) target_semaphore(%arg17 : memref<!tpu.dma_semaphore, #tpu.memory_space<semaphore_mem>>)
      %slice3A_386 = vector.extract_strided_slice %mul3A_30 {offsets = [11], sizes = [1], strides = [1]} : vector<16xi32> to vector<1xi32>
      %squeeze3A_387 = vector.extract %slice3A_386[0] : i32 from vector<1xi32>
      %multiple_of3A_388 = tpu.assume_multiple %squeeze3A_387, 128 : i32
      %slice3A_389 = vector.extract_strided_slice %mul3A_36 {offsets = [11], sizes = [1], strides = [1]} : vector<16xi32> to vector<1xi32>
      %squeeze3A_390 = vector.extract %slice3A_389[0] : i32 from vector<1xi32>
      %multiple_of3A_391 = tpu.assume_multiple %squeeze3A_390, 128 : i32
      %dma_start3A_392 = arith.constant 11 : i32
      %dma_start3A_393 = arith.constant 0 : i32
      %dma_start3A_394 = arith.constant 0 : i32
      %dma_start3A_395 = tpu.memref_slice %arg11[%dma_start3A_392, %dma_start3A_393, %dma_start3A_394] : memref<16x16x128xf32, #tpu.memory_space<vmem>> -> memref<1x16x128xf32, #tpu.memory_space<vmem>>
      %dma_start3A_396 = tpu.memref_squeeze %dma_start3A_395 : memref<1x16x128xf32, #tpu.memory_space<vmem>> -> memref<16x128xf32, #tpu.memory_space<vmem>>
      %dma_start3A_397 = arith.constant 0 : i32
      %dma_start3A_398 = tpu.memref_slice %arg2[%dma_start3A_397, %multiple_of3A_388] : memref<16x1000000xf32, #tpu.memory_space<hbm>> -> memref<16x128xf32, #tpu.memory_space<hbm>>
      %dma_start3A_399 = arith.constant 0 : i32
      %dma_start3A_400 = arith.constant 0 : i32
      %dma_start3A_401 = tpu.memref_slice %arg11[%dma_start3A_392, %dma_start3A_399, %dma_start3A_400] : memref<16x16x128xf32, #tpu.memory_space<vmem>> -> memref<1x16x128xf32, #tpu.memory_space<vmem>>
      %dma_start3A_402 = tpu.memref_squeeze %dma_start3A_401 : memref<1x16x128xf32, #tpu.memory_space<vmem>> -> memref<16x128xf32, #tpu.memory_space<vmem>>
      %dma_start3A_403 = arith.constant 0 : i32
      %dma_start3A_404 = tpu.memref_slice %arg2[%dma_start3A_403, %multiple_of3A_388] : memref<16x1000000xf32, #tpu.memory_space<hbm>> -> memref<16x128xf32, #tpu.memory_space<hbm>>
      tpu.enqueue_dma source(%dma_start3A_404 : memref<16x128xf32, #tpu.memory_space<hbm>>) target(%dma_start3A_402 : memref<16x128xf32, #tpu.memory_space<vmem>>) target_semaphore(%arg16 : memref<!tpu.dma_semaphore, #tpu.memory_space<semaphore_mem>>)
      %dma_start3A_405 = arith.constant 11 : i32
      %dma_start3A_406 = arith.constant 0 : i32
      %dma_start3A_407 = arith.constant 0 : i32
      %dma_start3A_408 = tpu.memref_slice %arg12[%dma_start3A_405, %dma_start3A_406, %dma_start3A_407] : memref<16x16x128xf32, #tpu.memory_space<vmem>> -> memref<1x16x128xf32, #tpu.memory_space<vmem>>
      %dma_start3A_409 = tpu.memref_squeeze %dma_start3A_408 : memref<1x16x128xf32, #tpu.memory_space<vmem>> -> memref<16x128xf32, #tpu.memory_space<vmem>>
      %dma_start3A_410 = arith.constant 0 : i32
      %dma_start3A_411 = tpu.memref_slice %arg3[%dma_start3A_410, %multiple_of3A_391] : memref<16x1000000xf32, #tpu.memory_space<hbm>> -> memref<16x128xf32, #tpu.memory_space<hbm>>
      %dma_start3A_412 = arith.constant 0 : i32
      %dma_start3A_413 = arith.constant 0 : i32
      %dma_start3A_414 = tpu.memref_slice %arg12[%dma_start3A_405, %dma_start3A_412, %dma_start3A_413] : memref<16x16x128xf32, #tpu.memory_space<vmem>> -> memref<1x16x128xf32, #tpu.memory_space<vmem>>
      %dma_start3A_415 = tpu.memref_squeeze %dma_start3A_414 : memref<1x16x128xf32, #tpu.memory_space<vmem>> -> memref<16x128xf32, #tpu.memory_space<vmem>>
      %dma_start3A_416 = arith.constant 0 : i32
      %dma_start3A_417 = tpu.memref_slice %arg3[%dma_start3A_416, %multiple_of3A_391] : memref<16x1000000xf32, #tpu.memory_space<hbm>> -> memref<16x128xf32, #tpu.memory_space<hbm>>
      tpu.enqueue_dma source(%dma_start3A_417 : memref<16x128xf32, #tpu.memory_space<hbm>>) target(%dma_start3A_415 : memref<16x128xf32, #tpu.memory_space<vmem>>) target_semaphore(%arg17 : memref<!tpu.dma_semaphore, #tpu.memory_space<semaphore_mem>>)
      %slice3A_418 = vector.extract_strided_slice %mul3A_30 {offsets = [12], sizes = [1], strides = [1]} : vector<16xi32> to vector<1xi32>
      %squeeze3A_419 = vector.extract %slice3A_418[0] : i32 from vector<1xi32>
      %multiple_of3A_420 = tpu.assume_multiple %squeeze3A_419, 128 : i32
      %slice3A_421 = vector.extract_strided_slice %mul3A_36 {offsets = [12], sizes = [1], strides = [1]} : vector<16xi32> to vector<1xi32>
      %squeeze3A_422 = vector.extract %slice3A_421[0] : i32 from vector<1xi32>
      %multiple_of3A_423 = tpu.assume_multiple %squeeze3A_422, 128 : i32
      %dma_start3A_424 = arith.constant 12 : i32
      %dma_start3A_425 = arith.constant 0 : i32
      %dma_start3A_426 = arith.constant 0 : i32
      %dma_start3A_427 = tpu.memref_slice %arg11[%dma_start3A_424, %dma_start3A_425, %dma_start3A_426] : memref<16x16x128xf32, #tpu.memory_space<vmem>> -> memref<1x16x128xf32, #tpu.memory_space<vmem>>
      %dma_start3A_428 = tpu.memref_squeeze %dma_start3A_427 : memref<1x16x128xf32, #tpu.memory_space<vmem>> -> memref<16x128xf32, #tpu.memory_space<vmem>>
      %dma_start3A_429 = arith.constant 0 : i32
      %dma_start3A_430 = tpu.memref_slice %arg2[%dma_start3A_429, %multiple_of3A_420] : memref<16x1000000xf32, #tpu.memory_space<hbm>> -> memref<16x128xf32, #tpu.memory_space<hbm>>
      %dma_start3A_431 = arith.constant 0 : i32
      %dma_start3A_432 = arith.constant 0 : i32
      %dma_start3A_433 = tpu.memref_slice %arg11[%dma_start3A_424, %dma_start3A_431, %dma_start3A_432] : memref<16x16x128xf32, #tpu.memory_space<vmem>> -> memref<1x16x128xf32, #tpu.memory_space<vmem>>
      %dma_start3A_434 = tpu.memref_squeeze %dma_start3A_433 : memref<1x16x128xf32, #tpu.memory_space<vmem>> -> memref<16x128xf32, #tpu.memory_space<vmem>>
      %dma_start3A_435 = arith.constant 0 : i32
      %dma_start3A_436 = tpu.memref_slice %arg2[%dma_start3A_435, %multiple_of3A_420] : memref<16x1000000xf32, #tpu.memory_space<hbm>> -> memref<16x128xf32, #tpu.memory_space<hbm>>
      tpu.enqueue_dma source(%dma_start3A_436 : memref<16x128xf32, #tpu.memory_space<hbm>>) target(%dma_start3A_434 : memref<16x128xf32, #tpu.memory_space<vmem>>) target_semaphore(%arg16 : memref<!tpu.dma_semaphore, #tpu.memory_space<semaphore_mem>>)
      %dma_start3A_437 = arith.constant 12 : i32
      %dma_start3A_438 = arith.constant 0 : i32
      %dma_start3A_439 = arith.constant 0 : i32
      %dma_start3A_440 = tpu.memref_slice %arg12[%dma_start3A_437, %dma_start3A_438, %dma_start3A_439] : memref<16x16x128xf32, #tpu.memory_space<vmem>> -> memref<1x16x128xf32, #tpu.memory_space<vmem>>
      %dma_start3A_441 = tpu.memref_squeeze %dma_start3A_440 : memref<1x16x128xf32, #tpu.memory_space<vmem>> -> memref<16x128xf32, #tpu.memory_space<vmem>>
      %dma_start3A_442 = arith.constant 0 : i32
      %dma_start3A_443 = tpu.memref_slice %arg3[%dma_start3A_442, %multiple_of3A_423] : memref<16x1000000xf32, #tpu.memory_space<hbm>> -> memref<16x128xf32, #tpu.memory_space<hbm>>
      %dma_start3A_444 = arith.constant 0 : i32
      %dma_start3A_445 = arith.constant 0 : i32
      %dma_start3A_446 = tpu.memref_slice %arg12[%dma_start3A_437, %dma_start3A_444, %dma_start3A_445] : memref<16x16x128xf32, #tpu.memory_space<vmem>> -> memref<1x16x128xf32, #tpu.memory_space<vmem>>
      %dma_start3A_447 = tpu.memref_squeeze %dma_start3A_446 : memref<1x16x128xf32, #tpu.memory_space<vmem>> -> memref<16x128xf32, #tpu.memory_space<vmem>>
      %dma_start3A_448 = arith.constant 0 : i32
      %dma_start3A_449 = tpu.memref_slice %arg3[%dma_start3A_448, %multiple_of3A_423] : memref<16x1000000xf32, #tpu.memory_space<hbm>> -> memref<16x128xf32, #tpu.memory_space<hbm>>
      tpu.enqueue_dma source(%dma_start3A_449 : memref<16x128xf32, #tpu.memory_space<hbm>>) target(%dma_start3A_447 : memref<16x128xf32, #tpu.memory_space<vmem>>) target_semaphore(%arg17 : memref<!tpu.dma_semaphore, #tpu.memory_space<semaphore_mem>>)
      %slice3A_450 = vector.extract_strided_slice %mul3A_30 {offsets = [13], sizes = [1], strides = [1]} : vector<16xi32> to vector<1xi32>
      %squeeze3A_451 = vector.extract %slice3A_450[0] : i32 from vector<1xi32>
      %multiple_of3A_452 = tpu.assume_multiple %squeeze3A_451, 128 : i32
      %slice3A_453 = vector.extract_strided_slice %mul3A_36 {offsets = [13], sizes = [1], strides = [1]} : vector<16xi32> to vector<1xi32>
      %squeeze3A_454 = vector.extract %slice3A_453[0] : i32 from vector<1xi32>
      %multiple_of3A_455 = tpu.assume_multiple %squeeze3A_454, 128 : i32
      %dma_start3A_456 = arith.constant 13 : i32
      %dma_start3A_457 = arith.constant 0 : i32
      %dma_start3A_458 = arith.constant 0 : i32
      %dma_start3A_459 = tpu.memref_slice %arg11[%dma_start3A_456, %dma_start3A_457, %dma_start3A_458] : memref<16x16x128xf32, #tpu.memory_space<vmem>> -> memref<1x16x128xf32, #tpu.memory_space<vmem>>
      %dma_start3A_460 = tpu.memref_squeeze %dma_start3A_459 : memref<1x16x128xf32, #tpu.memory_space<vmem>> -> memref<16x128xf32, #tpu.memory_space<vmem>>
      %dma_start3A_461 = arith.constant 0 : i32
      %dma_start3A_462 = tpu.memref_slice %arg2[%dma_start3A_461, %multiple_of3A_452] : memref<16x1000000xf32, #tpu.memory_space<hbm>> -> memref<16x128xf32, #tpu.memory_space<hbm>>
      %dma_start3A_463 = arith.constant 0 : i32
      %dma_start3A_464 = arith.constant 0 : i32
      %dma_start3A_465 = tpu.memref_slice %arg11[%dma_start3A_456, %dma_start3A_463, %dma_start3A_464] : memref<16x16x128xf32, #tpu.memory_space<vmem>> -> memref<1x16x128xf32, #tpu.memory_space<vmem>>
      %dma_start3A_466 = tpu.memref_squeeze %dma_start3A_465 : memref<1x16x128xf32, #tpu.memory_space<vmem>> -> memref<16x128xf32, #tpu.memory_space<vmem>>
      %dma_start3A_467 = arith.constant 0 : i32
      %dma_start3A_468 = tpu.memref_slice %arg2[%dma_start3A_467, %multiple_of3A_452] : memref<16x1000000xf32, #tpu.memory_space<hbm>> -> memref<16x128xf32, #tpu.memory_space<hbm>>
      tpu.enqueue_dma source(%dma_start3A_468 : memref<16x128xf32, #tpu.memory_space<hbm>>) target(%dma_start3A_466 : memref<16x128xf32, #tpu.memory_space<vmem>>) target_semaphore(%arg16 : memref<!tpu.dma_semaphore, #tpu.memory_space<semaphore_mem>>)
      %dma_start3A_469 = arith.constant 13 : i32
      %dma_start3A_470 = arith.constant 0 : i32
      %dma_start3A_471 = arith.constant 0 : i32
      %dma_start3A_472 = tpu.memref_slice %arg12[%dma_start3A_469, %dma_start3A_470, %dma_start3A_471] : memref<16x16x128xf32, #tpu.memory_space<vmem>> -> memref<1x16x128xf32, #tpu.memory_space<vmem>>
      %dma_start3A_473 = tpu.memref_squeeze %dma_start3A_472 : memref<1x16x128xf32, #tpu.memory_space<vmem>> -> memref<16x128xf32, #tpu.memory_space<vmem>>
      %dma_start3A_474 = arith.constant 0 : i32
      %dma_start3A_475 = tpu.memref_slice %arg3[%dma_start3A_474, %multiple_of3A_455] : memref<16x1000000xf32, #tpu.memory_space<hbm>> -> memref<16x128xf32, #tpu.memory_space<hbm>>
      %dma_start3A_476 = arith.constant 0 : i32
      %dma_start3A_477 = arith.constant 0 : i32
      %dma_start3A_478 = tpu.memref_slice %arg12[%dma_start3A_469, %dma_start3A_476, %dma_start3A_477] : memref<16x16x128xf32, #tpu.memory_space<vmem>> -> memref<1x16x128xf32, #tpu.memory_space<vmem>>
      %dma_start3A_479 = tpu.memref_squeeze %dma_start3A_478 : memref<1x16x128xf32, #tpu.memory_space<vmem>> -> memref<16x128xf32, #tpu.memory_space<vmem>>
      %dma_start3A_480 = arith.constant 0 : i32
      %dma_start3A_481 = tpu.memref_slice %arg3[%dma_start3A_480, %multiple_of3A_455] : memref<16x1000000xf32, #tpu.memory_space<hbm>> -> memref<16x128xf32, #tpu.memory_space<hbm>>
      tpu.enqueue_dma source(%dma_start3A_481 : memref<16x128xf32, #tpu.memory_space<hbm>>) target(%dma_start3A_479 : memref<16x128xf32, #tpu.memory_space<vmem>>) target_semaphore(%arg17 : memref<!tpu.dma_semaphore, #tpu.memory_space<semaphore_mem>>)
      %slice3A_482 = vector.extract_strided_slice %mul3A_30 {offsets = [14], sizes = [1], strides = [1]} : vector<16xi32> to vector<1xi32>
      %squeeze3A_483 = vector.extract %slice3A_482[0] : i32 from vector<1xi32>
      %multiple_of3A_484 = tpu.assume_multiple %squeeze3A_483, 128 : i32
      %slice3A_485 = vector.extract_strided_slice %mul3A_36 {offsets = [14], sizes = [1], strides = [1]} : vector<16xi32> to vector<1xi32>
      %squeeze3A_486 = vector.extract %slice3A_485[0] : i32 from vector<1xi32>
      %multiple_of3A_487 = tpu.assume_multiple %squeeze3A_486, 128 : i32
      %dma_start3A_488 = arith.constant 14 : i32
      %dma_start3A_489 = arith.constant 0 : i32
      %dma_start3A_490 = arith.constant 0 : i32
      %dma_start3A_491 = tpu.memref_slice %arg11[%dma_start3A_488, %dma_start3A_489, %dma_start3A_490] : memref<16x16x128xf32, #tpu.memory_space<vmem>> -> memref<1x16x128xf32, #tpu.memory_space<vmem>>
      %dma_start3A_492 = tpu.memref_squeeze %dma_start3A_491 : memref<1x16x128xf32, #tpu.memory_space<vmem>> -> memref<16x128xf32, #tpu.memory_space<vmem>>
      %dma_start3A_493 = arith.constant 0 : i32
      %dma_start3A_494 = tpu.memref_slice %arg2[%dma_start3A_493, %multiple_of3A_484] : memref<16x1000000xf32, #tpu.memory_space<hbm>> -> memref<16x128xf32, #tpu.memory_space<hbm>>
      %dma_start3A_495 = arith.constant 0 : i32
      %dma_start3A_496 = arith.constant 0 : i32
      %dma_start3A_497 = tpu.memref_slice %arg11[%dma_start3A_488, %dma_start3A_495, %dma_start3A_496] : memref<16x16x128xf32, #tpu.memory_space<vmem>> -> memref<1x16x128xf32, #tpu.memory_space<vmem>>
      %dma_start3A_498 = tpu.memref_squeeze %dma_start3A_497 : memref<1x16x128xf32, #tpu.memory_space<vmem>> -> memref<16x128xf32, #tpu.memory_space<vmem>>
      %dma_start3A_499 = arith.constant 0 : i32
      %dma_start3A_500 = tpu.memref_slice %arg2[%dma_start3A_499, %multiple_of3A_484] : memref<16x1000000xf32, #tpu.memory_space<hbm>> -> memref<16x128xf32, #tpu.memory_space<hbm>>
      tpu.enqueue_dma source(%dma_start3A_500 : memref<16x128xf32, #tpu.memory_space<hbm>>) target(%dma_start3A_498 : memref<16x128xf32, #tpu.memory_space<vmem>>) target_semaphore(%arg16 : memref<!tpu.dma_semaphore, #tpu.memory_space<semaphore_mem>>)
      %dma_start3A_501 = arith.constant 14 : i32
      %dma_start3A_502 = arith.constant 0 : i32
      %dma_start3A_503 = arith.constant 0 : i32
      %dma_start3A_504 = tpu.memref_slice %arg12[%dma_start3A_501, %dma_start3A_502, %dma_start3A_503] : memref<16x16x128xf32, #tpu.memory_space<vmem>> -> memref<1x16x128xf32, #tpu.memory_space<vmem>>
      %dma_start3A_505 = tpu.memref_squeeze %dma_start3A_504 : memref<1x16x128xf32, #tpu.memory_space<vmem>> -> memref<16x128xf32, #tpu.memory_space<vmem>>
      %dma_start3A_506 = arith.constant 0 : i32
      %dma_start3A_507 = tpu.memref_slice %arg3[%dma_start3A_506, %multiple_of3A_487] : memref<16x1000000xf32, #tpu.memory_space<hbm>> -> memref<16x128xf32, #tpu.memory_space<hbm>>
      %dma_start3A_508 = arith.constant 0 : i32
      %dma_start3A_509 = arith.constant 0 : i32
      %dma_start3A_510 = tpu.memref_slice %arg12[%dma_start3A_501, %dma_start3A_508, %dma_start3A_509] : memref<16x16x128xf32, #tpu.memory_space<vmem>> -> memref<1x16x128xf32, #tpu.memory_space<vmem>>
      %dma_start3A_511 = tpu.memref_squeeze %dma_start3A_510 : memref<1x16x128xf32, #tpu.memory_space<vmem>> -> memref<16x128xf32, #tpu.memory_space<vmem>>
      %dma_start3A_512 = arith.constant 0 : i32
      %dma_start3A_513 = tpu.memref_slice %arg3[%dma_start3A_512, %multiple_of3A_487] : memref<16x1000000xf32, #tpu.memory_space<hbm>> -> memref<16x128xf32, #tpu.memory_space<hbm>>
      tpu.enqueue_dma source(%dma_start3A_513 : memref<16x128xf32, #tpu.memory_space<hbm>>) target(%dma_start3A_511 : memref<16x128xf32, #tpu.memory_space<vmem>>) target_semaphore(%arg17 : memref<!tpu.dma_semaphore, #tpu.memory_space<semaphore_mem>>)
      %slice3A_514 = vector.extract_strided_slice %mul3A_30 {offsets = [15], sizes = [1], strides = [1]} : vector<16xi32> to vector<1xi32>
      %squeeze3A_515 = vector.extract %slice3A_514[0] : i32 from vector<1xi32>
      %multiple_of3A_516 = tpu.assume_multiple %squeeze3A_515, 128 : i32
      %slice3A_517 = vector.extract_strided_slice %mul3A_36 {offsets = [15], sizes = [1], strides = [1]} : vector<16xi32> to vector<1xi32>
      %squeeze3A_518 = vector.extract %slice3A_517[0] : i32 from vector<1xi32>
      %multiple_of3A_519 = tpu.assume_multiple %squeeze3A_518, 128 : i32
      %dma_start3A_520 = arith.constant 15 : i32
      %dma_start3A_521 = arith.constant 0 : i32
      %dma_start3A_522 = arith.constant 0 : i32
      %dma_start3A_523 = tpu.memref_slice %arg11[%dma_start3A_520, %dma_start3A_521, %dma_start3A_522] : memref<16x16x128xf32, #tpu.memory_space<vmem>> -> memref<1x16x128xf32, #tpu.memory_space<vmem>>
      %dma_start3A_524 = tpu.memref_squeeze %dma_start3A_523 : memref<1x16x128xf32, #tpu.memory_space<vmem>> -> memref<16x128xf32, #tpu.memory_space<vmem>>
      %dma_start3A_525 = arith.constant 0 : i32
      %dma_start3A_526 = tpu.memref_slice %arg2[%dma_start3A_525, %multiple_of3A_516] : memref<16x1000000xf32, #tpu.memory_space<hbm>> -> memref<16x128xf32, #tpu.memory_space<hbm>>
      %dma_start3A_527 = arith.constant 0 : i32
      %dma_start3A_528 = arith.constant 0 : i32
      %dma_start3A_529 = tpu.memref_slice %arg11[%dma_start3A_520, %dma_start3A_527, %dma_start3A_528] : memref<16x16x128xf32, #tpu.memory_space<vmem>> -> memref<1x16x128xf32, #tpu.memory_space<vmem>>
      %dma_start3A_530 = tpu.memref_squeeze %dma_start3A_529 : memref<1x16x128xf32, #tpu.memory_space<vmem>> -> memref<16x128xf32, #tpu.memory_space<vmem>>
      %dma_start3A_531 = arith.constant 0 : i32
      %dma_start3A_532 = tpu.memref_slice %arg2[%dma_start3A_531, %multiple_of3A_516] : memref<16x1000000xf32, #tpu.memory_space<hbm>> -> memref<16x128xf32, #tpu.memory_space<hbm>>
      tpu.enqueue_dma source(%dma_start3A_532 : memref<16x128xf32, #tpu.memory_space<hbm>>) target(%dma_start3A_530 : memref<16x128xf32, #tpu.memory_space<vmem>>) target_semaphore(%arg16 : memref<!tpu.dma_semaphore, #tpu.memory_space<semaphore_mem>>)
      %dma_start3A_533 = arith.constant 15 : i32
      %dma_start3A_534 = arith.constant 0 : i32
      %dma_start3A_535 = arith.constant 0 : i32
      %dma_start3A_536 = tpu.memref_slice %arg12[%dma_start3A_533, %dma_start3A_534, %dma_start3A_535] : memref<16x16x128xf32, #tpu.memory_space<vmem>> -> memref<1x16x128xf32, #tpu.memory_space<vmem>>
      %dma_start3A_537 = tpu.memref_squeeze %dma_start3A_536 : memref<1x16x128xf32, #tpu.memory_space<vmem>> -> memref<16x128xf32, #tpu.memory_space<vmem>>
      %dma_start3A_538 = arith.constant 0 : i32
      %dma_start3A_539 = tpu.memref_slice %arg3[%dma_start3A_538, %multiple_of3A_519] : memref<16x1000000xf32, #tpu.memory_space<hbm>> -> memref<16x128xf32, #tpu.memory_space<hbm>>
      %dma_start3A_540 = arith.constant 0 : i32
      %dma_start3A_541 = arith.constant 0 : i32
      %dma_start3A_542 = tpu.memref_slice %arg12[%dma_start3A_533, %dma_start3A_540, %dma_start3A_541] : memref<16x16x128xf32, #tpu.memory_space<vmem>> -> memref<1x16x128xf32, #tpu.memory_space<vmem>>
      %dma_start3A_543 = tpu.memref_squeeze %dma_start3A_542 : memref<1x16x128xf32, #tpu.memory_space<vmem>> -> memref<16x128xf32, #tpu.memory_space<vmem>>
      %dma_start3A_544 = arith.constant 0 : i32
      %dma_start3A_545 = tpu.memref_slice %arg3[%dma_start3A_544, %multiple_of3A_519] : memref<16x1000000xf32, #tpu.memory_space<hbm>> -> memref<16x128xf32, #tpu.memory_space<hbm>>
      tpu.enqueue_dma source(%dma_start3A_545 : memref<16x128xf32, #tpu.memory_space<hbm>>) target(%dma_start3A_543 : memref<16x128xf32, #tpu.memory_space<vmem>>) target_semaphore(%arg17 : memref<!tpu.dma_semaphore, #tpu.memory_space<semaphore_mem>>)
      %dma_wait3A_546 = arith.constant 0 : i32
      %dma_wait3A_547 = arith.constant 0 : i32
      %dma_wait3A_548 = tpu.memref_slice %arg2[%dma_wait3A_546, %dma_wait3A_547] : memref<16x1000000xf32, #tpu.memory_space<hbm>> -> memref<16x2048xf32, #tpu.memory_space<hbm>>
      %dma_wait3A_549 = arith.constant 0 : i32
      %dma_wait3A_550 = arith.constant 0 : i32
      %dma_wait3A_551 = tpu.memref_slice %arg2[%dma_wait3A_549, %dma_wait3A_550] : memref<16x1000000xf32, #tpu.memory_space<hbm>> -> memref<16x2048xf32, #tpu.memory_space<hbm>>
      tpu.wait_dma2 semaphore(%arg16 : memref<!tpu.dma_semaphore, #tpu.memory_space<semaphore_mem>>) src(%dma_wait3A_551 : memref<16x2048xf32, #tpu.memory_space<hbm>>) dst(%arg11 : memref<16x16x128xf32, #tpu.memory_space<vmem>>)
      %dma_wait3A_552 = arith.constant 0 : i32
      %dma_wait3A_553 = arith.constant 0 : i32
      %dma_wait3A_554 = tpu.memref_slice %arg3[%dma_wait3A_552, %dma_wait3A_553] : memref<16x1000000xf32, #tpu.memory_space<hbm>> -> memref<16x2048xf32, #tpu.memory_space<hbm>>
      %dma_wait3A_555 = arith.constant 0 : i32
      %dma_wait3A_556 = arith.constant 0 : i32
      %dma_wait3A_557 = tpu.memref_slice %arg3[%dma_wait3A_555, %dma_wait3A_556] : memref<16x1000000xf32, #tpu.memory_space<hbm>> -> memref<16x2048xf32, #tpu.memory_space<hbm>>
      tpu.wait_dma2 semaphore(%arg17 : memref<!tpu.dma_semaphore, #tpu.memory_space<semaphore_mem>>) src(%dma_wait3A_557 : memref<16x2048xf32, #tpu.memory_space<hbm>>) dst(%arg12 : memref<16x16x128xf32, #tpu.memory_space<vmem>>)
      %and3A = arith.constant 127 : i32
      %and3A_558 = vector.broadcast %and3A : i32 to vector<16xi32>
      %and3A_559 = arith.andi %get3A_23, %and3A_558 : vector<16xi32>
      %and3A_560 = arith.constant 127 : i32
      %and3A_561 = vector.broadcast %and3A_560 : i32 to vector<16xi32>
      %and3A_562 = arith.andi %get3A_25, %and3A_561 : vector<16xi32>
      %broadcast_in_dim3A = arith.constant 0.000000e+00 : f32
      %broadcast_in_dim3A_563 = vector.broadcast %broadcast_in_dim3A : f32 to vector<16xf32>
      %broadcast_in_dim3A_564 = arith.constant 0 : i32
      %broadcast_in_dim3A_565 = vector.broadcast %broadcast_in_dim3A_564 : i32 to vector<16xi32>
      %gather3A = tpu.vector_load_idx %arg11[%iota3A, %broadcast_in_dim3A_565, %and3A_559] : memref<16x16x128xf32, #tpu.memory_space<vmem>>[vector<16xi32>, vector<16xi32>, vector<16xi32>], vector<16xf32>,
      %gather3A_566 = tpu.vector_load_idx %arg12[%iota3A, %broadcast_in_dim3A_565, %and3A_562] : memref<16x16x128xf32, #tpu.memory_space<vmem>>[vector<16xi32>, vector<16xi32>, vector<16xi32>], vector<16xf32>,
      %mul3A_567 = arith.mulf %gather3A, %gather3A_566 : vector<16xf32>
      %add3A_568 = arith.addf %broadcast_in_dim3A_563, %mul3A_567 : vector<16xf32>
      %broadcast_in_dim3A_569 = arith.constant 1 : i32
      %broadcast_in_dim3A_570 = vector.broadcast %broadcast_in_dim3A_569 : i32 to vector<16xi32>
      %gather3A_571 = tpu.vector_load_idx %arg11[%iota3A, %broadcast_in_dim3A_570, %and3A_559] : memref<16x16x128xf32, #tpu.memory_space<vmem>>[vector<16xi32>, vector<16xi32>, vector<16xi32>], vector<16xf32>,
      %gather3A_572 = tpu.vector_load_idx %arg12[%iota3A, %broadcast_in_dim3A_570, %and3A_562] : memref<16x16x128xf32, #tpu.memory_space<vmem>>[vector<16xi32>, vector<16xi32>, vector<16xi32>], vector<16xf32>,
      %mul3A_573 = arith.mulf %gather3A_571, %gather3A_572 : vector<16xf32>
      %add3A_574 = arith.addf %add3A_568, %mul3A_573 : vector<16xf32>
      %broadcast_in_dim3A_575 = arith.constant 2 : i32
      %broadcast_in_dim3A_576 = vector.broadcast %broadcast_in_dim3A_575 : i32 to vector<16xi32>
      %gather3A_577 = tpu.vector_load_idx %arg11[%iota3A, %broadcast_in_dim3A_576, %and3A_559] : memref<16x16x128xf32, #tpu.memory_space<vmem>>[vector<16xi32>, vector<16xi32>, vector<16xi32>], vector<16xf32>,
      %gather3A_578 = tpu.vector_load_idx %arg12[%iota3A, %broadcast_in_dim3A_576, %and3A_562] : memref<16x16x128xf32, #tpu.memory_space<vmem>>[vector<16xi32>, vector<16xi32>, vector<16xi32>], vector<16xf32>,
      %mul3A_579 = arith.mulf %gather3A_577, %gather3A_578 : vector<16xf32>
      %add3A_580 = arith.addf %add3A_574, %mul3A_579 : vector<16xf32>
      %broadcast_in_dim3A_581 = arith.constant 3 : i32
      %broadcast_in_dim3A_582 = vector.broadcast %broadcast_in_dim3A_581 : i32 to vector<16xi32>
      %gather3A_583 = tpu.vector_load_idx %arg11[%iota3A, %broadcast_in_dim3A_582, %and3A_559] : memref<16x16x128xf32, #tpu.memory_space<vmem>>[vector<16xi32>, vector<16xi32>, vector<16xi32>], vector<16xf32>,
      %gather3A_584 = tpu.vector_load_idx %arg12[%iota3A, %broadcast_in_dim3A_582, %and3A_562] : memref<16x16x128xf32, #tpu.memory_space<vmem>>[vector<16xi32>, vector<16xi32>, vector<16xi32>], vector<16xf32>,
      %mul3A_585 = arith.mulf %gather3A_583, %gather3A_584 : vector<16xf32>
      %add3A_586 = arith.addf %add3A_580, %mul3A_585 : vector<16xf32>
      %broadcast_in_dim3A_587 = arith.constant 4 : i32
      %broadcast_in_dim3A_588 = vector.broadcast %broadcast_in_dim3A_587 : i32 to vector<16xi32>
      %gather3A_589 = tpu.vector_load_idx %arg11[%iota3A, %broadcast_in_dim3A_588, %and3A_559] : memref<16x16x128xf32, #tpu.memory_space<vmem>>[vector<16xi32>, vector<16xi32>, vector<16xi32>], vector<16xf32>,
      %gather3A_590 = tpu.vector_load_idx %arg12[%iota3A, %broadcast_in_dim3A_588, %and3A_562] : memref<16x16x128xf32, #tpu.memory_space<vmem>>[vector<16xi32>, vector<16xi32>, vector<16xi32>], vector<16xf32>,
      %mul3A_591 = arith.mulf %gather3A_589, %gather3A_590 : vector<16xf32>
      %add3A_592 = arith.addf %add3A_586, %mul3A_591 : vector<16xf32>
      %broadcast_in_dim3A_593 = arith.constant 5 : i32
      %broadcast_in_dim3A_594 = vector.broadcast %broadcast_in_dim3A_593 : i32 to vector<16xi32>
      %gather3A_595 = tpu.vector_load_idx %arg11[%iota3A, %broadcast_in_dim3A_594, %and3A_559] : memref<16x16x128xf32, #tpu.memory_space<vmem>>[vector<16xi32>, vector<16xi32>, vector<16xi32>], vector<16xf32>,
      %gather3A_596 = tpu.vector_load_idx %arg12[%iota3A, %broadcast_in_dim3A_594, %and3A_562] : memref<16x16x128xf32, #tpu.memory_space<vmem>>[vector<16xi32>, vector<16xi32>, vector<16xi32>], vector<16xf32>,
      %mul3A_597 = arith.mulf %gather3A_595, %gather3A_596 : vector<16xf32>
      %add3A_598 = arith.addf %add3A_592, %mul3A_597 : vector<16xf32>
      %broadcast_in_dim3A_599 = arith.constant 6 : i32
      %broadcast_in_dim3A_600 = vector.broadcast %broadcast_in_dim3A_599 : i32 to vector<16xi32>
      %gather3A_601 = tpu.vector_load_idx %arg11[%iota3A, %broadcast_in_dim3A_600, %and3A_559] : memref<16x16x128xf32, #tpu.memory_space<vmem>>[vector<16xi32>, vector<16xi32>, vector<16xi32>], vector<16xf32>,
      %gather3A_602 = tpu.vector_load_idx %arg12[%iota3A, %broadcast_in_dim3A_600, %and3A_562] : memref<16x16x128xf32, #tpu.memory_space<vmem>>[vector<16xi32>, vector<16xi32>, vector<16xi32>], vector<16xf32>,
      %mul3A_603 = arith.mulf %gather3A_601, %gather3A_602 : vector<16xf32>
      %add3A_604 = arith.addf %add3A_598, %mul3A_603 : vector<16xf32>
      %broadcast_in_dim3A_605 = arith.constant 7 : i32
      %broadcast_in_dim3A_606 = vector.broadcast %broadcast_in_dim3A_605 : i32 to vector<16xi32>
      %gather3A_607 = tpu.vector_load_idx %arg11[%iota3A, %broadcast_in_dim3A_606, %and3A_559] : memref<16x16x128xf32, #tpu.memory_space<vmem>>[vector<16xi32>, vector<16xi32>, vector<16xi32>], vector<16xf32>,
      %gather3A_608 = tpu.vector_load_idx %arg12[%iota3A, %broadcast_in_dim3A_606, %and3A_562] : memref<16x16x128xf32, #tpu.memory_space<vmem>>[vector<16xi32>, vector<16xi32>, vector<16xi32>], vector<16xf32>,
      %mul3A_609 = arith.mulf %gather3A_607, %gather3A_608 : vector<16xf32>
      %add3A_610 = arith.addf %add3A_604, %mul3A_609 : vector<16xf32>
      %broadcast_in_dim3A_611 = arith.constant 8 : i32
      %broadcast_in_dim3A_612 = vector.broadcast %broadcast_in_dim3A_611 : i32 to vector<16xi32>
      %gather3A_613 = tpu.vector_load_idx %arg11[%iota3A, %broadcast_in_dim3A_612, %and3A_559] : memref<16x16x128xf32, #tpu.memory_space<vmem>>[vector<16xi32>, vector<16xi32>, vector<16xi32>], vector<16xf32>,
      %gather3A_614 = tpu.vector_load_idx %arg12[%iota3A, %broadcast_in_dim3A_612, %and3A_562] : memref<16x16x128xf32, #tpu.memory_space<vmem>>[vector<16xi32>, vector<16xi32>, vector<16xi32>], vector<16xf32>,
      %mul3A_615 = arith.mulf %gather3A_613, %gather3A_614 : vector<16xf32>
      %add3A_616 = arith.addf %add3A_610, %mul3A_615 : vector<16xf32>
      %broadcast_in_dim3A_617 = arith.constant 9 : i32
      %broadcast_in_dim3A_618 = vector.broadcast %broadcast_in_dim3A_617 : i32 to vector<16xi32>
      %gather3A_619 = tpu.vector_load_idx %arg11[%iota3A, %broadcast_in_dim3A_618, %and3A_559] : memref<16x16x128xf32, #tpu.memory_space<vmem>>[vector<16xi32>, vector<16xi32>, vector<16xi32>], vector<16xf32>,
      %gather3A_620 = tpu.vector_load_idx %arg12[%iota3A, %broadcast_in_dim3A_618, %and3A_562] : memref<16x16x128xf32, #tpu.memory_space<vmem>>[vector<16xi32>, vector<16xi32>, vector<16xi32>], vector<16xf32>,
      %mul3A_621 = arith.mulf %gather3A_619, %gather3A_620 : vector<16xf32>
      %add3A_622 = arith.addf %add3A_616, %mul3A_621 : vector<16xf32>
      %broadcast_in_dim3A_623 = arith.constant 10 : i32
      %broadcast_in_dim3A_624 = vector.broadcast %broadcast_in_dim3A_623 : i32 to vector<16xi32>
      %gather3A_625 = tpu.vector_load_idx %arg11[%iota3A, %broadcast_in_dim3A_624, %and3A_559] : memref<16x16x128xf32, #tpu.memory_space<vmem>>[vector<16xi32>, vector<16xi32>, vector<16xi32>], vector<16xf32>,
      %gather3A_626 = tpu.vector_load_idx %arg12[%iota3A, %broadcast_in_dim3A_624, %and3A_562] : memref<16x16x128xf32, #tpu.memory_space<vmem>>[vector<16xi32>, vector<16xi32>, vector<16xi32>], vector<16xf32>,
      %mul3A_627 = arith.mulf %gather3A_625, %gather3A_626 : vector<16xf32>
      %add3A_628 = arith.addf %add3A_622, %mul3A_627 : vector<16xf32>
      %broadcast_in_dim3A_629 = arith.constant 11 : i32
      %broadcast_in_dim3A_630 = vector.broadcast %broadcast_in_dim3A_629 : i32 to vector<16xi32>
      %gather3A_631 = tpu.vector_load_idx %arg11[%iota3A, %broadcast_in_dim3A_630, %and3A_559] : memref<16x16x128xf32, #tpu.memory_space<vmem>>[vector<16xi32>, vector<16xi32>, vector<16xi32>], vector<16xf32>,
      %gather3A_632 = tpu.vector_load_idx %arg12[%iota3A, %broadcast_in_dim3A_630, %and3A_562] : memref<16x16x128xf32, #tpu.memory_space<vmem>>[vector<16xi32>, vector<16xi32>, vector<16xi32>], vector<16xf32>,
      %mul3A_633 = arith.mulf %gather3A_631, %gather3A_632 : vector<16xf32>
      %add3A_634 = arith.addf %add3A_628, %mul3A_633 : vector<16xf32>
      %broadcast_in_dim3A_635 = arith.constant 12 : i32
      %broadcast_in_dim3A_636 = vector.broadcast %broadcast_in_dim3A_635 : i32 to vector<16xi32>
      %gather3A_637 = tpu.vector_load_idx %arg11[%iota3A, %broadcast_in_dim3A_636, %and3A_559] : memref<16x16x128xf32, #tpu.memory_space<vmem>>[vector<16xi32>, vector<16xi32>, vector<16xi32>], vector<16xf32>,
      %gather3A_638 = tpu.vector_load_idx %arg12[%iota3A, %broadcast_in_dim3A_636, %and3A_562] : memref<16x16x128xf32, #tpu.memory_space<vmem>>[vector<16xi32>, vector<16xi32>, vector<16xi32>], vector<16xf32>,
      %mul3A_639 = arith.mulf %gather3A_637, %gather3A_638 : vector<16xf32>
      %add3A_640 = arith.addf %add3A_634, %mul3A_639 : vector<16xf32>
      %broadcast_in_dim3A_641 = arith.constant 13 : i32
      %broadcast_in_dim3A_642 = vector.broadcast %broadcast_in_dim3A_641 : i32 to vector<16xi32>
      %gather3A_643 = tpu.vector_load_idx %arg11[%iota3A, %broadcast_in_dim3A_642, %and3A_559] : memref<16x16x128xf32, #tpu.memory_space<vmem>>[vector<16xi32>, vector<16xi32>, vector<16xi32>], vector<16xf32>,
      %gather3A_644 = tpu.vector_load_idx %arg12[%iota3A, %broadcast_in_dim3A_642, %and3A_562] : memref<16x16x128xf32, #tpu.memory_space<vmem>>[vector<16xi32>, vector<16xi32>, vector<16xi32>], vector<16xf32>,
      %mul3A_645 = arith.mulf %gather3A_643, %gather3A_644 : vector<16xf32>
      %add3A_646 = arith.addf %add3A_640, %mul3A_645 : vector<16xf32>
      %broadcast_in_dim3A_647 = arith.constant 14 : i32
      %broadcast_in_dim3A_648 = vector.broadcast %broadcast_in_dim3A_647 : i32 to vector<16xi32>
      %gather3A_649 = tpu.vector_load_idx %arg11[%iota3A, %broadcast_in_dim3A_648, %and3A_559] : memref<16x16x128xf32, #tpu.memory_space<vmem>>[vector<16xi32>, vector<16xi32>, vector<16xi32>], vector<16xf32>,
      %gather3A_650 = tpu.vector_load_idx %arg12[%iota3A, %broadcast_in_dim3A_648, %and3A_562] : memref<16x16x128xf32, #tpu.memory_space<vmem>>[vector<16xi32>, vector<16xi32>, vector<16xi32>], vector<16xf32>,
      %mul3A_651 = arith.mulf %gather3A_649, %gather3A_650 : vector<16xf32>
      %add3A_652 = arith.addf %add3A_646, %mul3A_651 : vector<16xf32>
      %broadcast_in_dim3A_653 = arith.constant 15 : i32
      %broadcast_in_dim3A_654 = vector.broadcast %broadcast_in_dim3A_653 : i32 to vector<16xi32>
      %gather3A_655 = tpu.vector_load_idx %arg11[%iota3A, %broadcast_in_dim3A_654, %and3A_559] : memref<16x16x128xf32, #tpu.memory_space<vmem>>[vector<16xi32>, vector<16xi32>, vector<16xi32>], vector<16xf32>,
      %gather3A_656 = tpu.vector_load_idx %arg12[%iota3A, %broadcast_in_dim3A_654, %and3A_562] : memref<16x16x128xf32, #tpu.memory_space<vmem>>[vector<16xi32>, vector<16xi32>, vector<16xi32>], vector<16xf32>,
      %mul3A_657 = arith.mulf %gather3A_655, %gather3A_656 : vector<16xf32>
      %add3A_658 = arith.addf %add3A_652, %mul3A_657 : vector<16xf32>
      %swap3A = arith.index_cast %mul3A_22 : i32 to index
      %swap3A_659 = tpu.vector_load %arg15[%swap3A] {strides = array<i32>} : memref<512xf32, #tpu.memory_space<vmem>>, vector<16xf32>,
      tpu.vector_store %arg15[%swap3A], %add3A_658 {strides = array<i32>} : memref<512xf32, #tpu.memory_space<vmem>>, vector<16xf32>,
    }
    %scan3A_10 = arith.constant 32 : i32
    %dma_wait3A = arith.constant 0 : i32
    %dma_wait3A_11 = tpu.memref_slice %arg4[%dma_wait3A] : memref<1000000xf32, #tpu.memory_space<hbm>> -> memref<1000000xf32, #tpu.memory_space<hbm>>
    tpu.wait_indirect_dma semaphore(%arg18 : memref<!tpu.dma_semaphore, #tpu.memory_space<semaphore_mem>>) src(%dma_wait3A_11 : memref<1000000xf32, #tpu.memory_space<hbm>>) dst(%arg13 : memref<512xf32, #tpu.memory_space<vmem>>)
    %dma_wait3A_12 = arith.constant 0 : i32
    %dma_wait3A_13 = tpu.memref_slice %arg5[%dma_wait3A_12] : memref<1000000xf32, #tpu.memory_space<hbm>> -> memref<1000000xf32, #tpu.memory_space<hbm>>
    tpu.wait_indirect_dma semaphore(%arg19 : memref<!tpu.dma_semaphore, #tpu.memory_space<semaphore_mem>>) src(%dma_wait3A_13 : memref<1000000xf32, #tpu.memory_space<hbm>>) dst(%arg14 : memref<512xf32, #tpu.memory_space<vmem>>)
    %scan3A_14 = arith.constant 0 : i32
    %scan3A_15 = arith.constant 0 : i32
    %scan3A_16 = arith.constant 32 : i32
    %scan3A_17 = arith.addi %scan3A_15, %scan3A_16 : i32
    %scan3A_18 = arith.constant 1 : i32
    scf.for %scan3A_20 = %scan3A_15 to %scan3A_17 step %scan3A_18  : i32 {
      %mul3A_21 = arith.constant 16 : i32
      %mul3A_22 = arith.muli %scan3A_20, %mul3A_21 : i32
      %get3A = arith.index_cast %mul3A_22 : i32 to index
      %get3A_23 = tpu.vector_load %arg15[%get3A] {strides = array<i32>} : memref<512xf32, #tpu.memory_space<vmem>>, vector<16xf32>,
      %get3A_24 = arith.index_cast %mul3A_22 : i32 to index
      %get3A_25 = tpu.vector_load %arg13[%get3A_24] {strides = array<i32>} : memref<512xf32, #tpu.memory_space<vmem>>, vector<16xf32>,
      %add3A_26 = arith.addf %get3A_23, %get3A_25 : vector<16xf32>
      %get3A_27 = arith.index_cast %mul3A_22 : i32 to index
      %get3A_28 = tpu.vector_load %arg14[%get3A_27] {strides = array<i32>} : memref<512xf32, #tpu.memory_space<vmem>>, vector<16xf32>,
      %add3A_29 = arith.addf %add3A_26, %get3A_28 : vector<16xf32>
      %swap3A = arith.index_cast %mul3A_22 : i32 to index
      %swap3A_30 = tpu.vector_load %arg15[%swap3A] {strides = array<i32>} : memref<512xf32, #tpu.memory_space<vmem>>, vector<16xf32>,
      tpu.vector_store %arg15[%swap3A], %add3A_29 {strides = array<i32>} : memref<512xf32, #tpu.memory_space<vmem>>, vector<16xf32>,
    }
    %scan3A_19 = arith.constant 32 : i32
    "tpu.region"() ({
      %run_scoped3A = tpu.sem_alloc : memref<!tpu.dma_semaphore, #tpu.memory_space<semaphore_mem>>
      %dma_start3A_20 = tpu.memref_slice %arg8[%mul3A_2] : memref<16384xf32, #tpu.memory_space<hbm>> -> memref<512xf32, #tpu.memory_space<hbm>>
      %dma_start3A_21 = tpu.memref_slice %arg8[%mul3A_2] : memref<16384xf32, #tpu.memory_space<hbm>> -> memref<512xf32, #tpu.memory_space<hbm>>
      tpu.enqueue_dma source(%arg15 : memref<512xf32, #tpu.memory_space<vmem>>) target(%dma_start3A_21 : memref<512xf32, #tpu.memory_space<hbm>>) target_semaphore(%run_scoped3A : memref<!tpu.dma_semaphore, #tpu.memory_space<semaphore_mem>>)
      %dma_wait3A_22 = tpu.memref_slice %arg8[%mul3A_2] : memref<16384xf32, #tpu.memory_space<hbm>> -> memref<512xf32, #tpu.memory_space<hbm>>
      %dma_wait3A_23 = tpu.memref_slice %arg8[%mul3A_2] : memref<16384xf32, #tpu.memory_space<hbm>> -> memref<512xf32, #tpu.memory_space<hbm>>
      tpu.wait_dma2 semaphore(%run_scoped3A : memref<!tpu.dma_semaphore, #tpu.memory_space<semaphore_mem>>) src(%arg15 : memref<512xf32, #tpu.memory_space<vmem>>) dst(%dma_wait3A_23 : memref<512xf32, #tpu.memory_space<hbm>>)
      tpu.yield
    }) : () -> ()
    return
  }
}

</mosaic_0001>

<sc_bundles>
// kernel: _mf.3.cloned.1.call-start
scs
__scs_entry_jumppad:
0x0: {  	(pc) =	sbr.rel $0x88, $3  }
0x1: {  	(tag) =	ssettag $0x0;
	lr =	simm.s32 $0x1  }
0x2: {  	[smem:$0x3F9B] =	sst lr;
	_ =	strace $0xD0000000  }
0x3: {  	_ = 	snop  }
0x4: {  	_ = 	snop  }
0x5: {  	_ = 	snop  }
0x6: {  	_ = 	snop  }
0x7: {  	_ = 	snop  }
__scs_overlays_trampoline_lowered:
0x8: {  	[smem:$0x3FAA] =	sst s0  }
0x9: {  	[smem:$0x3FAB] =	sst s1  }
0xa: {  	[smem:$0x3FAC] =	sst s2  }
0xb: {  	[smem:$0x3FAD] =	sst s3  }
0xc: {  	[smem:$0x3FAE] =	sst s4  }
0xd: {  	[smem:$0x3FAF] =	sst s5  }
0xe: {  	[smem:$0x3FB0] =	sst s6  }
0xf: {  	[smem:$0x3FB1] =	sst s7  }
0x10: {  	[smem:$0x3FB2] =	sst s8  }
0x11: {  	[smem:$0x3FB3] =	sst s9;
	s0 =	simm.s32 @!p0 $0x0  }
0x12: {  	s1 =	sld [smem:$0x3F99];
	s0 =	simm.s32 @p0 $0x1  }
0x13: {  	[smem:$0x3FB4] =	sst s0;
	s0 =	simm.s32 @!p1 $0x0  }
0x14: {  	s2 =	sld [smem:$0x3F98];
	s0 =	simm.s32 @p1 $0x1  }
0x15: {  	[smem:$0x3FB5] =	sst s0;
	s0 =	simm.s32 @!p2 $0x0  }
0x16: {  	s3 =	sld [smem:$0x3FDB];
	s0 =	simm.s32 @p2 $0x1  }
0x17: {  	s4 =	simm.s32 $0x1BF5;
	[smem:$0x3FB7] =	sst s0  }
0x18: {  	s0 =	sld [smem:$0x3F9A];
	_ =	swait.ge [sflag:s4], $0x0  }
0x19: {  	s7 =	sld [smem:$0x3F9B]  }
0x1a: {  	s8 =	sadd.s32 $0xFFFFE003, lr  }
0x1b: {  	s9 =	sadd.s32 $0xFFFFFEF7, lr;
	s5 =	simm.s32 $0xFFFFFFFF;
	p2 =	slt.u32 s8, $0xFFFFF086  }
0x1c: {  	p1 =	slt.u32 s9, $0xF7A;
	s5 =	simm.s32 @!p2 $0x0  }
0x1d: {  	s5 =	simm.s32 @p1 $0x1;
	p0 =	seq.s32 s7, s2  }
0x1e: {  	s7 =	smul.u32 @!p0 $0xF7A, s2;
	p2 =	seq.s32 @!p0 s5, $0x0  }
0x1f: {  	s9 =	smul.u32 $0xF7A, s1;
	s8 =	simm.s32 @!p0 $0x1BF5;
	p2 =	por !p2, p0  }
0x20: {  	[sflag:s8] =	ssyncset.s32 @!p0 $0xFFFFF086;
	s6 =	sadd.s32 @!p0 s3, s7;
	s7 =	simm.s32 @!p0 $0x108  }
0x21: {  	s3 =	sadd.s32 s3, s9;
	s6 =	sadd.s32 @!p0 $0x88, s6;
	s7 =	simm.s32 @p2 $0x1082  }
0x22: {  	[simem:s7], [sflag:s8] =	dma.local @!p0 [hbm:s6], $0xF7A  }
0x23: {  	s9 =	sor.u32 $0xD0000000, s2;
	s6 =	simm.s32 $0x108;
	_ =	swait.ge @!p0 [sflag:s8], $0x0  }
0x24: {  	s3 =	sadd.s32 $0x88, s3;
	s6 =	simm.s32 @!p1 $0x1082;
	[sflag:s4] =	ssyncset.s32 $0xFFFFF086  }
0x25: {  	[simem:s6], [sflag:s4] =	dma.local [hbm:s3], $0xF7A  }
0x26: {  	[smem:$0x3F9B] =	sst s1;
	(tag) =	ssettag s2;
	_ =	strace s9  }
0x27: {  	s1 =	sld [smem:$0x3FAB]  }
0x28: {  	s2 =	sld [smem:$0x3FAC]  }
0x29: {  	s4 =	sld [smem:$0x3FAE]  }
0x2a: {  	p0 =	seq.s32 s5, $0x0;
	s5 =	sld [smem:$0x3FAF]  }
0x2b: {  	s6 =	sld [smem:$0x3FB0]  }
0x2c: {  	s7 =	sld [smem:$0x3FB1]  }
0x2d: {  	s3 =	simm.s32 $0x108;
	s8 =	sld [smem:$0x3FB2]  }
0x2e: {  	s3 =	simm.s32 @!p0 $0x1082;
	s9 =	sld [smem:$0x3FB3]  }
0x2f: {  	lr =	sadd.s32 s0, s3;
	s0 =	sld [smem:$0x3FAA]  }
0x30: {  	s3 =	sld [smem:$0x3FAD]  }
0x31: {  	[smem:$0x3FB6] =	sst s10  }
0x32: {  	s10 =	sld [smem:$0x3FB4];
	_ =	sdelay $0x3  }
0x33: {  	p0 =	seq.s32 s10, $0x1;
	s10 =	sld [smem:$0x3FB6];
	_ =	sdelay $0x3  }
0x34: {  	[smem:$0x3FB6] =	sst s10  }
0x35: {  	s10 =	sld [smem:$0x3FB5];
	_ =	sdelay $0x3  }
0x36: {  	p1 =	seq.s32 s10, $0x1;
	s10 =	sld [smem:$0x3FB6];
	_ =	sdelay $0x3  }
0x37: {  	[smem:$0x3FB6] =	sst s10  }
0x38: {  	s10 =	sld [smem:$0x3FB7]  }
0x39: {  	_ = 	snop;
	(pc) =	sbr.ind lr, $3  }
0x3a: {  	_ = 	snop  }
0x3b: {  	_ = 	snop  }
0x3c: {  	p2 =	seq.s32 s10, $0x1;
	s10 =	sld [smem:$0x3FB6]  }
0x3d: {  	_ =	shalt  }
0x3e: {  	_ =	shalt  }
0x3f: {  	_ =	shalt  }
0x40: {  	_ =	shalt  }
0x41: {  	_ =	shalt  }
0x42: {  	_ =	shalt  }
0x43: {  	_ =	shalt  }
0x44: {  	_ =	shalt  }
0x45: {  	_ =	shalt  }
0x46: {  	_ =	shalt  }
0x47: {  	_ =	shalt  }
0x48: {  	_ =	shalt  }
0x49: {  	_ =	shalt  }
0x4a: {  	_ =	shalt  }
0x4b: {  	_ =	shalt  }
0x4c: {  	_ =	shalt  }
0x4d: {  	_ =	shalt  }
0x4e: {  	_ =	shalt  }
0x4f: {  	_ =	shalt  }
0x50: {  	_ =	shalt  }
0x51: {  	_ =	shalt  }
0x52: {  	_ =	shalt  }
0x53: {  	_ =	shalt  }
0x54: {  	_ =	shalt  }
0x55: {  	_ =	shalt  }
0x56: {  	_ =	shalt  }
0x57: {  	_ =	shalt  }
0x58: {  	_ =	shalt  }
0x59: {  	_ =	shalt  }
0x5a: {  	_ =	shalt  }
0x5b: {  	_ =	shalt  }
0x5c: {  	_ =	shalt  }
0x5d: {  	_ =	shalt  }
0x5e: {  	_ =	shalt  }
0x5f: {  	_ =	shalt  }
0x60: {  	_ =	shalt  }
0x61: {  	_ =	shalt  }
0x62: {  	_ =	shalt  }
0x63: {  	_ =	shalt  }
0x64: {  	_ =	shalt  }
0x65: {  	_ =	shalt  }
0x66: {  	_ =	shalt  }
0x67: {  	_ =	shalt  }
0x68: {  	_ =	shalt  }
0x69: {  	_ =	shalt  }
0x6a: {  	_ =	shalt  }
0x6b: {  	_ =	shalt  }
0x6c: {  	_ =	shalt  }
0x6d: {  	_ =	shalt  }
0x6e: {  	_ =	shalt  }
0x6f: {  	_ =	shalt  }
0x70: {  	_ =	shalt  }
0x71: {  	_ =	shalt  }
0x72: {  	_ =	shalt  }
0x73: {  	_ =	shalt  }
0x74: {  	_ =	shalt  }
0x75: {  	_ =	shalt  }
0x76: {  	_ =	shalt  }
0x77: {  	_ =	shalt  }
0x78: {  	_ =	shalt  }
0x79: {  	_ =	shalt  }
0x7a: {  	_ =	shalt  }
0x7b: {  	_ =	shalt  }
0x7c: {  	_ =	shalt  }
0x7d: {  	_ =	shalt  }
0x7e: {  	_ =	shalt  }
0x7f: {  	_ =	shalt  }
0x80: {  	_ =	shalt  }
0x81: {  	_ =	shalt  }
0x82: {  	_ =	shalt  }
0x83: {  	_ =	shalt  }
0x84: {  	_ =	shalt  }
0x85: {  	_ =	shalt  }
0x86: {  	_ =	shalt  }
0x87: {  	_ =	shalt  }
.Lfunc_end0:
.L_simem_size_0:
called_computation_lowered:
.L_overlay_start_0:
0x88: {  	s2 =	sld [smem:$0x3FD9]  }
0x89: {  	s3 =	sld [smem:$0x3FFE];
	_ =	sdelay $0x1  }
0x8a: {  	s1 =	srdreg.scid  }
0x8b: {  	s0 =	sand.u32 $0x1, s1  }
0x8c: {  	s17 =	sshll.u32 s0, $0xA;
	s2 =	sadd.s32 s3, s2  }
0x8d: {  	s2 =	sadd.s32 s2, s17  }
0x8e: {  	[smem:$0x3FC2] =	sst s2  }
0x8f: {  	_ = 	snop  }
0x90: {  	s2 =	sld [smem:$0x3FC9]  }
0x91: {  	s18 =	sld [smem:$0x3FC8]  }
0x92: {  	s4 =	sld [smem:$0x3FC7]  }
0x93: {  	s5 =	sld [smem:$0x3FC6]  }
0x94: {  	s6 =	sld [smem:$0x3FD0];
	(tm) =	ssettm $0x1  }
0x95: {  	s7 =	sld [smem:$0x3FFB];
	_ =	sdelay $0x3  }
0x96: {  	_ =	strace s7  }
0x97: {  	s7 =	sld [smem:$0x3FFC];
	_ =	sdelay $0x3  }
0x98: {  	_ =	strace s7  }
0x99: {  	s7 =	sld [smem:$0x3FFD];
	_ =	sdelay $0x3  }
0x9a: {  	_ =	strace s7  }
0x9b: {  	_ =	strace $0x8FFFFFFF  }
0x9c: {  	s19 =	sld [smem:$0x3FDB];
	_ =	sdelay $0x1  }
0x9d: {  	s8 =	simm.s32 $_scs_section_size  }
0x9e: {  	s9 =	simm.s32 $_size__tile_overlayer_lowered;
	s10 =	simm.s32 $_tile_overlayer_lowered  }
0x9f: {  	s22 =	simm.s32 $0x1BFF;
	s21 =	sshll.u32 s10, $0x1;
	s7 =	sadd.s32 s8, s19  }
0xa0: {  	s11 =	simm.s32 $0x0;
	s20 =	sshll.u32 s9, $0x1;
	s9 =	sadd.s32 s21, s7  }
0xa1: {  	[timem:s11], [sflag:s22] =	dma.local [hbm:s9], s20  }
0xa2: {  	_ =	swait.ge [sflag:s22], s20  }
0xa3: {  	s8 =	ssub.s32 $0x0, s20;
	[sflag:s22] =	ssyncset.done $0x0  }
0xa4: {  	[sflag:s22] =	ssyncadd.s32 s8;
	_ =	sdelay $0x1  }
0xa5: {  	s23 =	simm.s32 $0x1B8B  }
0xa6: {  	_ =	swait.ge [sflag:s23], $0x1  }
0xa7: {  	[sflag:s23] =	ssyncset.done $0x0  }
0xa8: {  	s25 =	simm.s32 $0x1B8E;
	s24 =	sld [smem:$0x3FFE];
	[sflag:s23] =	ssyncadd.s32 $0xFFFFFFFF  }
0xa9: {  	s26 =	simm.s32 $execute0_lowered;
	[smem:$0x3FD2] =	sst s25  }
0xaa: {  	s9 =	sshll.u32 s26, $0x1;
	_ =	strace $0x80000046;
	[dreg:$0x1] =	wrdreg $0xFFFFFFFF  }
0xab: {  	s28 =	simm.s32 $_size_execute0_lowered;
	s7 =	sadd.s32 s7, s9;
	[dreg:$0x0] =	wrdreg $0x0  }
0xac: {  	s9 =	sshll.u32 s28, $0x1;
	[dreg:$0x2] =	wrdreg s7  }
0xad: {  	[dreg:$0x3] =	wrdreg s9  }
0xae: {  	[dreg:$0x4] =	wrdreg $0xC0  }
0xaf: {  	_ =	task [dreg:s11], $0x5FFFF  }
0xb0: {  	[dreg:$0x1] =	wrdreg $0xFFFFFFFF  }
0xb1: {  	[dreg:$0x0] =	wrdreg $0x60  }
0xb2: {  	[dreg:$0x2] =	wrdreg s4  }
0xb3: {  	[dreg:$0x3] =	wrdreg s5  }
0xb4: {  	[dreg:$0x4] =	wrdreg s24  }
0xb5: {  	[dreg:$0x5] =	wrdreg s2  }
0xb6: {  	[dreg:$0x6] =	wrdreg s18  }
0xb7: {  	[dreg:$0x7] =	wrdreg s6  }
0xb8: {  	[dreg:$0x8] =	wrdreg $0x9  }
0xb9: {  	_ =	task.clear_ibuf [dreg:s11], $0x9FFFF;
	_ =	strace $0x90000046  }
0xba: {  	s29 =	simm.s32 $0x9;
	_ =	strace $0x80000048  }
0xbb: {  	_ =	swait.ge [sflag:s29], $0x1  }
0xbc: {  	[sflag:s29] =	ssyncadd.s32 $0xFFFFFFFF  }
0xbd: {  	_ =	strace $0x90000048  }
0xbe: {  	_ =	sfence  }
0xbf: {  	s30 =	sld [smem:$0x0];
	_ =	sdelay $0x2  }
0xc0: {  	s31 =	sshll.u32 s1, $0xD;
	s1 =	sshrl.u32 s1, $0x2  }
0xc1: {  	s3 =	sand.u32 $0x4000, s31;
	s1 =	sadd.s32 s1, s30  }
0xc2: {  	s0 =	sor.u32 s3, s0;
	s1 =	sshll.u32 s1, $0x11  }
0xc3: {  	s0 =	sor.u32 s1, s0  }
0xc4: {  	s0 =	sadd.s32 $0x8F2B, s0  }
0xc5: {  	[sflag:s0] =	ssyncadd.remote.s32 $0x1  }
0xc6: {  	_ =	sfence.sel $0xFFFF  }
0xc7: {  	[dreg:$0x0] =	wrdreg $0xFFFFFFFF;
	(pc) =	sbr.abs _section_cstart, $3  }
0xc8: {  	[dreg:$0x1] =	wrdreg $0xFFFFFFFF  }
0xc9: {  	_ =	task.clear_ibuf [dreg:s11], $0x2FFFF;
	_ =	strace $0x9FFFFFFF  }
0xca: {  	(tm) =	ssettm $0x7FFFFFFF  }
0xcb: {  	_ =	shalt  }
tec
execute0_lowered:
.L_overlay_start_1:
0x0: {  	(tag) =	ssettag $0x1  }
0x1: {  	s0 =	rddreg [dreg:$0x0]  }
0x2: {  	s3 =	rddreg [dreg:$0x1]  }
0x3: {  	s1 =	rddreg [dreg:$0x2]  }
0x4: {  	s5 =	rddreg [dreg:$0x3]  }
0x5: {  	s6 =	rddreg [dreg:$0x4]  }
0x6: {  	s7 =	rddreg [dreg:$0x5]  }
0x7: {  	[dreg:$0x7] =	wrdreg s0  }
0x8: {  	[dreg:$0x8] =	wrdreg s3  }
0x9: {  	s2 =	simm.s32 $0x0;
	s0 =	rddreg [dreg:$0x6]  }
0xa: {  	[smem:$0x7FF] =	sst s2;
	s3 =	simm.s32 $0xC00  }
0xb: {  	s4 =	simm.s32 $0x8C00;
	_ =	strace $0x80000047;
	[dreg:$0x9] =	wrdreg s3  }
0xc: {  	s8 =	simm.s32 $0x1400;
	[dreg:$0xa] =	wrdreg s4  }
0xd: {  	s9 =	simm.s32 $0x9400;
	[dreg:$0xb] =	wrdreg s8  }
0xe: {  	s10 =	simm.s32 $0x1C00;
	[dreg:$0xc] =	wrdreg s9  }
0xf: {  	s11 =	simm.s32 $0x9C00;
	[dreg:$0xd] =	wrdreg s10  }
0x10: {  	s12 =	simm.s32 $0x2400;
	[dreg:$0xe] =	wrdreg s11  }
0x11: {  	s13 =	simm.s32 $0xA400;
	[dreg:$0xf] =	wrdreg s12  }
0x12: {  	s14 =	simm.s32 $0x2C00;
	[dreg:$0x10] =	wrdreg s13  }
0x13: {  	s15 =	simm.s32 $0xAC00;
	[dreg:$0x11] =	wrdreg s14  }
0x14: {  	s16 =	simm.s32 $0xB400;
	[dreg:$0x12] =	wrdreg s15  }
0x15: {  	s17 =	simm.s32 $0xBC00;
	[dreg:$0x14] =	wrdreg s16  }
0x16: {  	s18 =	simm.s32 $0x4400;
	[dreg:$0x16] =	wrdreg s17  }
0x17: {  	s19 =	simm.s32 $0xC400;
	[dreg:$0x17] =	wrdreg s18  }
0x18: {  	s20 =	simm.s32 $0x4C00;
	[dreg:$0x18] =	wrdreg s19  }
0x19: {  	s21 =	simm.s32 $0xCC00;
	[dreg:$0x19] =	wrdreg s20  }
0x1a: {  	s23 =	simm.s32 $0x5400;
	[dreg:$0x1a] =	wrdreg s21  }
0x1b: {  	s24 =	simm.s32 $0xD400;
	[dreg:$0x1b] =	wrdreg s23  }
0x1c: {  	s25 =	simm.s32 $0x5C00;
	[dreg:$0x1c] =	wrdreg s24  }
0x1d: {  	s26 =	simm.s32 $0xDC00;
	[dreg:$0x1d] =	wrdreg s25  }
0x1e: {  	s28 =	simm.s32 $0x6400;
	s29 =	simm.s32 $0xE400;
	[dreg:$0x1e] =	wrdreg s26  }
0x1f: {  	s30 =	simm.s32 $0x6C00;
	s31 =	simm.s32 $0xEC00;
	[dreg:$0x1f] =	wrdreg s28  }
0x20: {  	s4 =	simm.s32 $0x3400;
	s3 =	sadd.s32 $0x1EA00, s1;
	[smem:$0x7F7] =	sst s29  }
0x21: {  	s8 =	srdreg.scid;
	s9 =	simm.s32 $0x3C00;
	[smem:$0x7F8] =	sst s30  }
0x22: {  	[smem:$0x7F9] =	sst s31;
	s12 =	simm.s32 $0x7400;
	s13 =	simm.s32 $0xF400  }
0x23: {  	s14 =	simm.s32 $0x7C00;
	s16 =	simm.s32 $0xFC00;
	s15 =	simm.s32 $0x8400  }
0x24: {  	s17 =	simm.s32 $0x2;
	s18 =	simm.s32 $0x3;
	[dreg:$0x13] =	wrdreg s4  }
0x25: {  	s19 =	simm.s32 $0x4;
	s20 =	simm.s32 $0x10800;
	[dreg:$0x15] =	wrdreg s9  }
0x26: {  	v0 =	vlaneseq.u32;
	s21 =	simm.s32 $0x0;
	s4 =	stileid.u32;
	[smem:$0x7FA] =	sst s12  }
0x27: {  	v0 =	vmul.u32 $0x800, v0;
	s8 =	sand.u32 $0x1, s8;
	s9 =	simm.s32 $0x5;
	[smem:$0x7FB] =	sst s13  }
0x28: {  	s12 =	simm.s32 $0x10600;
	s13 =	simm.s32 $0x7A1400;
	[smem:$0x7FC] =	sst s14  }
0x29: {  	v1 =	vor.u32 $0x80, v0;
	v2 =	vor.u32 $0x100, v0;
	v3 =	vor.u32 $0x180, v0;
	s14 =	simm.s32 $0x400;
	[smem:$0x7FD] =	sst s16;
	s10 =	ssub.s32 $0x2, s8  }
0x2a: {  	v4 =	vor.u32 $0x200, v0;
	v5 =	vor.u32 $0x280, v0;
	v6 =	vor.u32 $0x300, v0;
	s22 =	sshll.u32 s4, $0x7;
	s8 =	sshll.u32 s8, $0x6;
	s11 =	sshrl.u32 s10, $0x1  }
0x2b: {  	v7 =	vor.u32 $0x380, v0;
	v8 =	vor.u32 $0x400, v0;
	v9 =	vor.u32 $0x480, v0;
	s16 =	simm.s32 $0x1;
	s8 =	sor.u32 s8, s22;
	s10 =	ssub.s32 s10, s11  }
0x2c: {  	v10 =	vor.u32 $0x500, v0;
	v11 =	vor.u32 $0x580, v0;
	v12 =	vor.u32 $0x600, v0;
	s5 =	sadd.s32 s5, s8;
	s6 =	sadd.s32 s6, s8;
	s7 =	sadd.s32 s7, s8  }
0x2d: {  	v13 =	vor.u32 $0x680, v0;
	v14 =	vor.u32 $0x700, v0;
	v15 =	vor.u32 $0x780, v0;
	s11 =	simm.s32 $0x10400;
	s8 =	smax.u32 s10, $0x1;
	s10 =	simm.s32 $0x200  }
.LBB2_1:
0x2e: {  	[tilespmem:s2], [sflag:$0x5] =	stream.linear.gather [hbm4b:s5+s2], $0x200, $0x38;
	[tilespmem:$0x10A00] =	vst v63  }
0x2f: {  	_ =	swait.ge [sflag:s9], $0x200  }
0x30: {  	[sflag:s9] =	ssyncset.done $0x0  }
0x31: {  	[sflag:s9] =	ssyncadd.s32 $0xFFFFFE00  }
0x32: {  	[tilespmem:s10], [sflag:$0x5] =	stream.linear.gather [hbm4b:s6+s2], $0x200, $0x38;
	[tilespmem:$0x10A00] =	vst v63  }
0x33: {  	_ =	swait.ge [sflag:s9], $0x200  }
0x34: {  	[sflag:s9] =	ssyncset.done $0x0  }
0x35: {  	[sflag:s9] =	ssyncadd.s32 $0xFFFFFE00  }
0x36: {  	[tilespmem:s11], [sflag:$0x3] =	stream.indirect.gather [hbm4b:s1+s10], $0x1, s2, s10, $0xb8;
	[tilespmem:$0x10A00] =	vst v63  }
0x37: {  	s22 =	simm.s32 $0x0  }
0x38: {  	[tilespmem:s12], [sflag:$0x4] =	stream.indirect.gather [hbm4b:s3+s10], $0x1, s10, s10, $0xb8;
	[tilespmem:$0x10A00] =	vst v63  }
0x39: {  	v17 =	vld [tilespmem:s22+$0x0];
	_ =	sdelay $0x1  }
0x3a: {  	v16 =	vld [tilespmem:s22+$0x200];
	_ =	sdelay $0x2  }
0x3b: {  	s23 =	rddreg [dreg:$0x7];
	v18 =	vand.u32 $0xFFFFFF80, v17  }
0x3c: {  	v18 =	vadd.s32 s23, v18  }
0x3d: {  	s24 =	rddreg [dreg:$0x8];
	v19 =	vand.u32 $0xFFFFFF80, v16;
	(v2sf) =	vpush v18, $0x0  }
0x3e: {  	v19 =	vadd.s32 s24, v19  }
0x3f: {  	(v2sf) =	vpush v19, $0x0;
	_ =	sdelay $0x1  }
0x40: {  	(v2sf) =	vpush v18, $0x1;
	_ =	sdelay $0x1  }
0x41: {  	(v2sf) =	vpush v19, $0x1;
	_ =	sdelay $0x1  }
0x42: {  	(v2sf) =	vpush v18, $0x2;
	_ =	sdelay $0x1  }
0x43: {  	(v2sf) =	vpush v19, $0x2;
	_ =	sdelay $0x1  }
0x44: {  	(v2sf) =	vpush v18, $0x3;
	_ =	sdelay $0x1  }
0x45: {  	(v2sf) =	vpush v19, $0x3  }
0x46: {  	s30 =	spop (v2sf)  }
0x47: {  	(v2sf) =	vpush v18, $0x4;
	[tilespmem:s14], [sflag:$0x1] =	stream.strided.gather [hbm4b:s30+s14], $0x800, s13, s14, $0x38;
	[tilespmem:$0x10A00] =	vst v63  }
0x48: {  	s31 =	rddreg [dreg:$0x9];
	s25 =	spop (v2sf)  }
0x49: {  	(v2sf) =	vpush v19, $0x4;
	[tilespmem:s15], [sflag:$0x2] =	stream.strided.gather [hbm4b:s25+s14], $0x800, s13, s14, $0x38;
	[tilespmem:$0x10A00] =	vst v63  }
0x4a: {  	s26 =	rddreg [dreg:$0xa];
	s25 =	spop (v2sf)  }
0x4b: {  	(v2sf) =	vpush v18, $0x5;
	[tilespmem:s31], [sflag:$0x1] =	stream.strided.gather [hbm4b:s25+s14], $0x800, s13, s14, $0x38;
	[tilespmem:$0x10A00] =	vst v63  }
0x4c: {  	s28 =	rddreg [dreg:$0xb];
	s29 =	spop (v2sf)  }
0x4d: {  	(v2sf) =	vpush v19, $0x5;
	[tilespmem:s26], [sflag:$0x2] =	stream.strided.gather [hbm4b:s29+s14], $0x800, s13, s14, $0x38;
	[tilespmem:$0x10A00] =	vst v63  }
0x4e: {  	s30 =	rddreg [dreg:$0xc];
	s31 =	spop (v2sf)  }
0x4f: {  	(v2sf) =	vpush v18, $0x6;
	[tilespmem:s28], [sflag:$0x1] =	stream.strided.gather [hbm4b:s31+s14], $0x800, s13, s14, $0x38;
	[tilespmem:$0x10A00] =	vst v63  }
0x50: {  	s26 =	rddreg [dreg:$0xd];
	s28 =	spop (v2sf)  }
0x51: {  	(v2sf) =	vpush v19, $0x6;
	[tilespmem:s30], [sflag:$0x2] =	stream.strided.gather [hbm4b:s28+s14], $0x800, s13, s14, $0x38;
	[tilespmem:$0x10A00] =	vst v63  }
0x52: {  	s29 =	rddreg [dreg:$0xe];
	s30 =	spop (v2sf)  }
0x53: {  	(v2sf) =	vpush v18, $0x7;
	[tilespmem:s26], [sflag:$0x1] =	stream.strided.gather [hbm4b:s30+s14], $0x800, s13, s14, $0x38;
	[tilespmem:$0x10A00] =	vst v63  }
0x54: {  	s31 =	rddreg [dreg:$0xf];
	s26 =	spop (v2sf)  }
0x55: {  	(v2sf) =	vpush v19, $0x7;
	[tilespmem:s29], [sflag:$0x2] =	stream.strided.gather [hbm4b:s26+s14], $0x800, s13, s14, $0x38;
	[tilespmem:$0x10A00] =	vst v63  }
0x56: {  	s28 =	rddreg [dreg:$0x10];
	s29 =	spop (v2sf)  }
0x57: {  	(v2sf) =	vpush v18, $0x8;
	[tilespmem:s31], [sflag:$0x1] =	stream.strided.gather [hbm4b:s29+s14], $0x800, s13, s14, $0x38;
	[tilespmem:$0x10A00] =	vst v63  }
0x58: {  	s30 =	rddreg [dreg:$0x11];
	s31 =	spop (v2sf)  }
0x59: {  	(v2sf) =	vpush v19, $0x8;
	[tilespmem:s28], [sflag:$0x2] =	stream.strided.gather [hbm4b:s31+s14], $0x800, s13, s14, $0x38;
	[tilespmem:$0x10A00] =	vst v63  }
0x5a: {  	s26 =	rddreg [dreg:$0x12];
	s28 =	spop (v2sf)  }
0x5b: {  	(v2sf) =	vpush v18, $0x9;
	[tilespmem:s30], [sflag:$0x1] =	stream.strided.gather [hbm4b:s28+s14], $0x800, s13, s14, $0x38;
	[tilespmem:$0x10A00] =	vst v63  }
0x5c: {  	s29 =	rddreg [dreg:$0x13];
	s30 =	spop (v2sf)  }
0x5d: {  	(v2sf) =	vpush v19, $0x9;
	[tilespmem:s26], [sflag:$0x2] =	stream.strided.gather [hbm4b:s30+s14], $0x800, s13, s14, $0x38;
	[tilespmem:$0x10A00] =	vst v63  }
0x5e: {  	s31 =	rddreg [dreg:$0x14];
	s26 =	spop (v2sf)  }
0x5f: {  	(v2sf) =	vpush v18, $0xA;
	[tilespmem:s29], [sflag:$0x1] =	stream.strided.gather [hbm4b:s26+s14], $0x800, s13, s14, $0x38;
	[tilespmem:$0x10A00] =	vst v63  }
0x60: {  	s28 =	rddreg [dreg:$0x15];
	s29 =	spop (v2sf)  }
0x61: {  	(v2sf) =	vpush v19, $0xA;
	[tilespmem:s31], [sflag:$0x2] =	stream.strided.gather [hbm4b:s29+s14], $0x800, s13, s14, $0x38;
	[tilespmem:$0x10A00] =	vst v63  }
0x62: {  	s30 =	rddreg [dreg:$0x16];
	s31 =	spop (v2sf)  }
0x63: {  	(v2sf) =	vpush v18, $0xB;
	[tilespmem:s28], [sflag:$0x1] =	stream.strided.gather [hbm4b:s31+s14], $0x800, s13, s14, $0x38;
	[tilespmem:$0x10A00] =	vst v63  }
0x64: {  	s26 =	rddreg [dreg:$0x17];
	s28 =	spop (v2sf)  }
0x65: {  	(v2sf) =	vpush v19, $0xB;
	[tilespmem:s30], [sflag:$0x2] =	stream.strided.gather [hbm4b:s28+s14], $0x800, s13, s14, $0x38;
	[tilespmem:$0x10A00] =	vst v63  }
0x66: {  	s29 =	rddreg [dreg:$0x18];
	s30 =	spop (v2sf)  }
0x67: {  	(v2sf) =	vpush v18, $0xC;
	[tilespmem:s26], [sflag:$0x1] =	stream.strided.gather [hbm4b:s30+s14], $0x800, s13, s14, $0x38;
	[tilespmem:$0x10A00] =	vst v63  }
0x68: {  	s31 =	rddreg [dreg:$0x19];
	s26 =	spop (v2sf)  }
0x69: {  	(v2sf) =	vpush v19, $0xC;
	[tilespmem:s29], [sflag:$0x2] =	stream.strided.gather [hbm4b:s26+s14], $0x800, s13, s14, $0x38;
	[tilespmem:$0x10A00] =	vst v63  }
0x6a: {  	s28 =	rddreg [dreg:$0x1a];
	s29 =	spop (v2sf)  }
0x6b: {  	(v2sf) =	vpush v18, $0xD;
	[tilespmem:s31], [sflag:$0x1] =	stream.strided.gather [hbm4b:s29+s14], $0x800, s13, s14, $0x38;
	[tilespmem:$0x10A00] =	vst v63  }
0x6c: {  	s30 =	rddreg [dreg:$0x1b];
	s31 =	spop (v2sf)  }
0x6d: {  	(v2sf) =	vpush v19, $0xD;
	[tilespmem:s28], [sflag:$0x2] =	stream.strided.gather [hbm4b:s31+s14], $0x800, s13, s14, $0x38;
	[tilespmem:$0x10A00] =	vst v63  }
0x6e: {  	s26 =	rddreg [dreg:$0x1c];
	s28 =	spop (v2sf)  }
0x6f: {  	(v2sf) =	vpush v18, $0xE;
	[tilespmem:s30], [sflag:$0x1] =	stream.strided.gather [hbm4b:s28+s14], $0x800, s13, s14, $0x38;
	[tilespmem:$0x10A00] =	vst v63  }
0x70: {  	s29 =	rddreg [dreg:$0x1d];
	s30 =	spop (v2sf)  }
0x71: {  	(v2sf) =	vpush v19, $0xE;
	[tilespmem:s26], [sflag:$0x2] =	stream.strided.gather [hbm4b:s30+s14], $0x800, s13, s14, $0x38;
	[tilespmem:$0x10A00] =	vst v63  }
0x72: {  	s31 =	rddreg [dreg:$0x1e];
	s26 =	spop (v2sf)  }
0x73: {  	(v2sf) =	vpush v18, $0xF;
	[tilespmem:s29], [sflag:$0x1] =	stream.strided.gather [hbm4b:s26+s14], $0x800, s13, s14, $0x38;
	[tilespmem:$0x10A00] =	vst v63  }
0x74: {  	s28 =	rddreg [dreg:$0x1f];
	s29 =	spop (v2sf)  }
0x75: {  	(v2sf) =	vpush v19, $0xF;
	[tilespmem:s31], [sflag:$0x2] =	stream.strided.gather [hbm4b:s29+s14], $0x800, s13, s14, $0x38;
	[tilespmem:$0x10A00] =	vst v63  }
0x76: {  	s30 =	sld [smem:$0x7F7];
	s31 =	spop (v2sf)  }
0x77: {  	[tilespmem:s28], [sflag:$0x1] =	stream.strided.gather [hbm4b:s31+s14], $0x800, s13, s14, $0x38;
	[tilespmem:$0x10A00] =	vst v63  }
0x78: {  	s26 =	sld [smem:$0x7F8];
	s28 =	spop (v2sf)  }
0x79: {  	[tilespmem:s30], [sflag:$0x2] =	stream.strided.gather [hbm4b:s28+s14], $0x800, s13, s14, $0x38;
	[tilespmem:$0x10A00] =	vst v63  }
0x7a: {  	s29 =	sld [smem:$0x7F9];
	s30 =	spop (v2sf)  }
0x7b: {  	[tilespmem:s26], [sflag:$0x1] =	stream.strided.gather [hbm4b:s30+s14], $0x800, s13, s14, $0x38;
	[tilespmem:$0x10A00] =	vst v63  }
0x7c: {  	s31 =	sld [smem:$0x7FA];
	s26 =	spop (v2sf)  }
0x7d: {  	[tilespmem:s29], [sflag:$0x2] =	stream.strided.gather [hbm4b:s26+s14], $0x800, s13, s14, $0x38;
	[tilespmem:$0x10A00] =	vst v63  }
0x7e: {  	s28 =	sld [smem:$0x7FB];
	s29 =	spop (v2sf)  }
0x7f: {  	[tilespmem:s31], [sflag:$0x1] =	stream.strided.gather [hbm4b:s29+s14], $0x800, s13, s14, $0x38;
	[tilespmem:$0x10A00] =	vst v63  }
0x80: {  	s30 =	sld [smem:$0x7FC];
	s31 =	spop (v2sf)  }
0x81: {  	[tilespmem:s28], [sflag:$0x2] =	stream.strided.gather [hbm4b:s31+s14], $0x800, s13, s14, $0x38;
	[tilespmem:$0x10A00] =	vst v63  }
0x82: {  	s26 =	sld [smem:$0x7FD];
	s28 =	spop (v2sf)  }
0x83: {  	[tilespmem:s30], [sflag:$0x1] =	stream.strided.gather [hbm4b:s28+s14], $0x800, s13, s14, $0x38;
	[tilespmem:$0x10A00] =	vst v63  }
0x84: {  	s29 =	spop (v2sf)  }
0x85: {  	[tilespmem:s26], [sflag:$0x2] =	stream.strided.gather [hbm4b:s29+s14], $0x800, s13, s14, $0x38;
	[tilespmem:$0x10A00] =	vst v63  }
0x86: {  	v17 =	vand.u32 $0x7F, v17;
	_ =	swait.ge [sflag:s16], $0x8000  }
0x87: {  	v16 =	vand.u32 $0x7F, v16;
	v18 =	vor.u32 v1, v17;
	[sflag:s16] =	ssyncset.done $0x0  }
0x88: {  	v19 =	vor.u32 v1, v16;
	[sflag:s16] =	ssyncadd.s32 $0xFFFF8000  }
0x89: {  	v20 =	vor.u32 v0, v17;
	_ =	swait.ge [sflag:s17], $0x8000  }
0x8a: {  	[sflag:s17] =	ssyncset.done $0x0  }
0x8b: {  	v21 =	vor.u32 v0, v16;
	[sflag:s17] =	ssyncadd.s32 $0xFFFF8000  }
0x8c: {  	v18 =	vld.idx.msk [tilespmem:v18+s14+$0x0], $0xffff  }
0x8d: {  	v22 =	vor.u32 v2, v17;
	v19 =	vld.idx.msk [tilespmem:v19+s15+$0x0], $0xffff  }
0x8e: {  	s23 =	simm.s32 $0x10;
	v23 =	vor.u32 v2, v16;
	v20 =	vld.idx.msk [tilespmem:v20+s14+$0x0], $0xffff  }
0x8f: {  	v25 =	vor.u32 v3, v17;
	v24 =	vld [tilespmem:s23+$0x0]  }
0x90: {  	v26 =	vor.u32 v3, v16;
	v21 =	vld.idx.msk [tilespmem:v21+s15+$0x0], $0xffff  }
0x91: {  	v29 =	vor.u32 v4, v16;
	v27 =	vld [tilespmem:s23+$0x200]  }
0x92: {  	v30 =	vor.u32 v5, v17;
	v22 =	vld.idx.msk [tilespmem:v22+s14+$0x0], $0xffff  }
0x93: {  	v31 =	vor.u32 v5, v16;
	v23 =	vld.idx.msk [tilespmem:v23+s15+$0x0], $0xffff  }
0x94: {  	v25 =	vld.idx.msk [tilespmem:v25+s14+$0x0], $0xffff  }
0x95: {  	v26 =	vld.idx.msk [tilespmem:v26+s15+$0x0], $0xffff  }
0x96: {  	v28 =	vor.u32 v4, v17;
	v35 =	vld.idx.msk [tilespmem:v29+s15+$0x0], $0xffff  }
0x97: {  	v29 =	vor.u32 v7, v17;
	v30 =	vld.idx.msk [tilespmem:v30+s14+$0x0], $0xffff  }
0x98: {  	v36 =	vor.u32 v7, v16;
	v37 =	vld.idx.msk [tilespmem:v31+s15+$0x0], $0xffff;
	v21 =	vmul.f32 v21, v20  }
0x99: {  	v32 =	vor.u32 v6, v17;
	v33 =	vor.u32 v6, v16  }
0x9a: {  	v63 =	vor.u32 v8, v16;
	v18 =	vmul.f32 v19, v18;
	v19 =	vadd.f32 $0.0e+00, v21  }
0x9b: {  	v38 =	vor.u32 v9, v17;
	v34 =	vld.idx.msk [tilespmem:v28+s14+$0x0], $0xffff;
	v31 =	vor.u32 v8, v17;
	v20 =	vor.u32 v12, v17  }
0x9c: {  	v22 =	vmul.f32 v23, v22;
	v26 =	vmul.f32 v26, v25;
	v25 =	vld.idx.msk [tilespmem:v29+s14+$0x0], $0xffff;
	v19 =	vadd.f32 v18, v19  }
0x9d: {  	s30 =	rddreg [dreg:$0x7];
	v28 =	vand.u32 $0xFFFFFF80, v24;
	v23 =	vand.u32 $0xFFFFFF80, v27;
	v29 =	vld.idx.msk [tilespmem:v36+s15+$0x0], $0xffff;
	v36 =	vmul.f32 v37, v30  }
0x9e: {  	v21 =	vand.u32 $0x7F, v24;
	v24 =	vld.idx.msk [tilespmem:v32+s14+$0x0], $0xffff;
	v18 =	vadd.s32 s30, v28;
	v39 =	vadd.f32 v22, v19  }
0x9f: {  	v32 =	vor.u32 v11, v16;
	v28 =	vld.idx.msk [tilespmem:v33+s15+$0x0], $0xffff;
	v33 =	vor.u32 v9, v16;
	(v2sf) =	vpush v18, $0x0  }
0xa0: {  	s31 =	rddreg [dreg:$0x8];
	v30 =	vld.idx.msk [tilespmem:v63+s15+$0x0], $0xffff;
	v22 =	vand.u32 $0x7F, v27;
	v27 =	vmul.f32 v35, v34;
	v39 =	vadd.f32 v26, v39  }
0xa1: {  	v19 =	vadd.s32 s31, v23;
	v23 =	vor.u32 v12, v21;
	v35 =	vor.u32 v10, v17;
	v26 =	vld.idx.msk [tilespmem:v31+s14+$0x0], $0xffff  }
0xa2: {  	s24 =	simm.s32 $0x80;
	v34 =	vor.u32 v11, v17;
	v31 =	vor.u32 v10, v16;
	v37 =	vadd.f32 v27, v39;
	v27 =	vld.idx.msk [tilespmem:v38+s14+$0x0], $0xffff  }
.LBB2_2:
0xa3: {  	_ =	sdelay $0x3  }
0xa4: {  	v49 =	vadd.f32 v36, v37;
	v24 =	vmul.f32 v28, v24;
	v28 =	vld.idx.msk [tilespmem:v33+s15+$0x0], $0xffff  }
0xa5: {  	v35 =	vld.idx.msk [tilespmem:v35+s14+$0x0], $0xffff;
	v50 =	vor.u32 v12, v16  }
0xa6: {  	v25 =	vmul.f32 v29, v25;
	v29 =	vld.idx.msk [tilespmem:v31+s15+$0x0], $0xffff;
	v31 =	vor.u32 v13, v17;
	v24 =	vadd.f32 v24, v49  }
0xa7: {  	v51 =	vld.idx.msk [tilespmem:v34+s14+$0x0], $0xffff;
	v52 =	vor.u32 v13, v16  }
0xa8: {  	v53 =	vor.u32 v14, v17;
	v26 =	vmul.f32 v30, v26;
	v30 =	vld.idx.msk [tilespmem:v32+s15+$0x0], $0xffff;
	v24 =	vadd.f32 v25, v24  }
0xa9: {  	v54 =	vor.u32 v14, v16;
	v25 =	vld.idx.msk [tilespmem:v20+s14+$0x0], $0xffff;
	v20 =	vmov v23;
	v23 =	vmul.f32 v28, v27  }
0xaa: {  	v27 =	vld.idx.msk [tilespmem:v50+s15+$0x0], $0xffff;
	v28 =	vor.u32 v15, v17;
	v17 =	vmov v21;
	v21 =	vadd.f32 v26, v24  }
0xab: {  	v24 =	vld.idx.msk [tilespmem:v31+s14+$0x0], $0xffff  }
0xac: {  	v26 =	vor.u32 v15, v16;
	v16 =	vmovc v22;
	v22 =	vmul.f32 v29, v35;
	v21 =	vadd.f32 v23, v21  }
0xad: {  	v29 =	vld.idx.msk [tilespmem:v52+s15+$0x0], $0xffff;
	s26 =	spop (v2sf);
	(v2sf) =	vpush v19, $0x0  }
0xae: {  	v30 =	vmul.f32 v30, v51;
	v31 =	vld.idx.msk [tilespmem:v54+s15+$0x0], $0xffff;
	v21 =	vadd.f32 v22, v21  }
0xaf: {  	v23 =	vld.idx.msk [tilespmem:v53+s14+$0x0], $0xffff;
	(v2sf) =	vpush v18, $0x1  }
0xb0: {  	v22 =	vld.idx.msk [tilespmem:v28+s14+$0x0], $0xffff;
	v25 =	vmul.f32 v27, v25;
	v21 =	vadd.f32 v30, v21  }
0xb1: {  	v26 =	vld.idx.msk [tilespmem:v26+s15+$0x0], $0xffff;
	(v2sf) =	vpush v19, $0x1  }
0xb2: {  	v24 =	vmul.f32 v29, v24;
	v21 =	vadd.f32 v25, v21  }
0xb3: {  	(v2sf) =	vpush v18, $0x2  }
0xb4: {  	v23 =	vmul.f32 v31, v23;
	v21 =	vadd.f32 v24, v21  }
0xb5: {  	(v2sf) =	vpush v19, $0x2  }
0xb6: {  	v22 =	vmul.f32 v26, v22;
	v21 =	vadd.f32 v23, v21  }
0xb7: {  	(v2sf) =	vpush v18, $0x3  }
0xb8: {  	v21 =	vadd.f32 v22, v21  }
0xb9: {  	(v2sf) =	vpush v19, $0x3  }
0xba: {  	[tilespmem:s22+$0x10800] =	vst v21  }
0xbb: {  	(v2sf) =	vpush v18, $0x4;
	[tilespmem:s14], [sflag:$0x1] =	stream.strided.gather [hbm4b:s26+s14], $0x800, s13, s14, $0x38;
	[tilespmem:$0x10A00] =	vst v63  }
0xbc: {  	s29 =	rddreg [dreg:$0x9];
	s30 =	spop (v2sf)  }
0xbd: {  	(v2sf) =	vpush v19, $0x4;
	[tilespmem:s15], [sflag:$0x2] =	stream.strided.gather [hbm4b:s30+s14], $0x800, s13, s14, $0x38;
	[tilespmem:$0x10A00] =	vst v63  }
0xbe: {  	s31 =	rddreg [dreg:$0xa];
	s28 =	spop (v2sf)  }
0xbf: {  	(v2sf) =	vpush v18, $0x5;
	[tilespmem:s29], [sflag:$0x1] =	stream.strided.gather [hbm4b:s28+s14], $0x800, s13, s14, $0x38;
	[tilespmem:$0x10A00] =	vst v63  }
0xc0: {  	s22 =	smov.u32 s23;
	s23 =	rddreg [dreg:$0xb];
	s29 =	spop (v2sf)  }
0xc1: {  	(v2sf) =	vpush v19, $0x5;
	[tilespmem:s31], [sflag:$0x2] =	stream.strided.gather [hbm4b:s29+s14], $0x800, s13, s14, $0x38;
	[tilespmem:$0x10A00] =	vst v63  }
0xc2: {  	s30 =	rddreg [dreg:$0xc];
	s31 =	spop (v2sf)  }
0xc3: {  	(v2sf) =	vpush v18, $0x6;
	[tilespmem:s23], [sflag:$0x1] =	stream.strided.gather [hbm4b:s31+s14], $0x800, s13, s14, $0x38;
	[tilespmem:$0x10A00] =	vst v63  }
0xc4: {  	s29 =	spop (v2sf);
	s23 =	rddreg [dreg:$0xd]  }
0xc5: {  	(v2sf) =	vpush v19, $0x6;
	[tilespmem:s30], [sflag:$0x2] =	stream.strided.gather [hbm4b:s29+s14], $0x800, s13, s14, $0x38;
	[tilespmem:$0x10A00] =	vst v63  }
0xc6: {  	s31 =	spop (v2sf);
	s30 =	rddreg [dreg:$0xe]  }
0xc7: {  	(v2sf) =	vpush v18, $0x7;
	[tilespmem:s23], [sflag:$0x1] =	stream.strided.gather [hbm4b:s31+s14], $0x800, s13, s14, $0x38;
	[tilespmem:$0x10A00] =	vst v63  }
0xc8: {  	s29 =	spop (v2sf);
	s23 =	rddreg [dreg:$0xf]  }
0xc9: {  	(v2sf) =	vpush v19, $0x7;
	[tilespmem:s30], [sflag:$0x2] =	stream.strided.gather [hbm4b:s29+s14], $0x800, s13, s14, $0x38;
	[tilespmem:$0x10A00] =	vst v63  }
0xca: {  	s31 =	spop (v2sf);
	s30 =	rddreg [dreg:$0x10]  }
0xcb: {  	(v2sf) =	vpush v18, $0x8;
	[tilespmem:s23], [sflag:$0x1] =	stream.strided.gather [hbm4b:s31+s14], $0x800, s13, s14, $0x38;
	[tilespmem:$0x10A00] =	vst v63  }
0xcc: {  	s23 =	rddreg [dreg:$0x11];
	s29 =	spop (v2sf)  }
0xcd: {  	(v2sf) =	vpush v19, $0x8;
	[tilespmem:s30], [sflag:$0x2] =	stream.strided.gather [hbm4b:s29+s14], $0x800, s13, s14, $0x38;
	[tilespmem:$0x10A00] =	vst v63  }
0xce: {  	s31 =	spop (v2sf);
	s30 =	rddreg [dreg:$0x12]  }
0xcf: {  	(v2sf) =	vpush v18, $0x9;
	[tilespmem:s23], [sflag:$0x1] =	stream.strided.gather [hbm4b:s31+s14], $0x800, s13, s14, $0x38;
	[tilespmem:$0x10A00] =	vst v63  }
0xd0: {  	s29 =	spop (v2sf);
	s23 =	rddreg [dreg:$0x13]  }
0xd1: {  	(v2sf) =	vpush v19, $0x9;
	[tilespmem:s30], [sflag:$0x2] =	stream.strided.gather [hbm4b:s29+s14], $0x800, s13, s14, $0x38;
	[tilespmem:$0x10A00] =	vst v63  }
0xd2: {  	s31 =	spop (v2sf);
	s30 =	rddreg [dreg:$0x14]  }
0xd3: {  	(v2sf) =	vpush v18, $0xA;
	[tilespmem:s23], [sflag:$0x1] =	stream.strided.gather [hbm4b:s31+s14], $0x800, s13, s14, $0x38;
	[tilespmem:$0x10A00] =	vst v63  }
0xd4: {  	s29 =	spop (v2sf);
	s23 =	rddreg [dreg:$0x15]  }
0xd5: {  	(v2sf) =	vpush v19, $0xA;
	[tilespmem:s30], [sflag:$0x2] =	stream.strided.gather [hbm4b:s29+s14], $0x800, s13, s14, $0x38;
	[tilespmem:$0x10A00] =	vst v63  }
0xd6: {  	s31 =	spop (v2sf);
	s30 =	rddreg [dreg:$0x16]  }
0xd7: {  	(v2sf) =	vpush v18, $0xB;
	[tilespmem:s23], [sflag:$0x1] =	stream.strided.gather [hbm4b:s31+s14], $0x800, s13, s14, $0x38;
	[tilespmem:$0x10A00] =	vst v63  }
0xd8: {  	s29 =	spop (v2sf);
	s23 =	rddreg [dreg:$0x17]  }
0xd9: {  	(v2sf) =	vpush v19, $0xB;
	[tilespmem:s30], [sflag:$0x2] =	stream.strided.gather [hbm4b:s29+s14], $0x800, s13, s14, $0x38;
	[tilespmem:$0x10A00] =	vst v63  }
0xda: {  	s31 =	spop (v2sf);
	s30 =	rddreg [dreg:$0x18]  }
0xdb: {  	(v2sf) =	vpush v18, $0xC;
	[tilespmem:s23], [sflag:$0x1] =	stream.strided.gather [hbm4b:s31+s14], $0x800, s13, s14, $0x38;
	[tilespmem:$0x10A00] =	vst v63  }
0xdc: {  	s29 =	spop (v2sf);
	s23 =	rddreg [dreg:$0x19]  }
0xdd: {  	(v2sf) =	vpush v19, $0xC;
	[tilespmem:s30], [sflag:$0x2] =	stream.strided.gather [hbm4b:s29+s14], $0x800, s13, s14, $0x38;
	[tilespmem:$0x10A00] =	vst v63  }
0xde: {  	s31 =	spop (v2sf);
	s30 =	rddreg [dreg:$0x1a]  }
0xdf: {  	(v2sf) =	vpush v18, $0xD;
	[tilespmem:s23], [sflag:$0x1] =	stream.strided.gather [hbm4b:s31+s14], $0x800, s13, s14, $0x38;
	[tilespmem:$0x10A00] =	vst v63  }
0xe0: {  	s29 =	spop (v2sf);
	s23 =	rddreg [dreg:$0x1b]  }
0xe1: {  	(v2sf) =	vpush v19, $0xD;
	[tilespmem:s30], [sflag:$0x2] =	stream.strided.gather [hbm4b:s29+s14], $0x800, s13, s14, $0x38;
	[tilespmem:$0x10A00] =	vst v63  }
0xe2: {  	s31 =	spop (v2sf);
	s30 =	rddreg [dreg:$0x1c]  }
0xe3: {  	(v2sf) =	vpush v18, $0xE;
	[tilespmem:s23], [sflag:$0x1] =	stream.strided.gather [hbm4b:s31+s14], $0x800, s13, s14, $0x38;
	[tilespmem:$0x10A00] =	vst v63  }
0xe4: {  	s29 =	spop (v2sf);
	s23 =	rddreg [dreg:$0x1d]  }
0xe5: {  	(v2sf) =	vpush v19, $0xE;
	[tilespmem:s30], [sflag:$0x2] =	stream.strided.gather [hbm4b:s29+s14], $0x800, s13, s14, $0x38;
	[tilespmem:$0x10A00] =	vst v63  }
0xe6: {  	s31 =	spop (v2sf);
	s30 =	rddreg [dreg:$0x1e]  }
0xe7: {  	(v2sf) =	vpush v18, $0xF;
	[tilespmem:s23], [sflag:$0x1] =	stream.strided.gather [hbm4b:s31+s14], $0x800, s13, s14, $0x38;
	[tilespmem:$0x10A00] =	vst v63  }
0xe8: {  	s29 =	spop (v2sf);
	s23 =	rddreg [dreg:$0x1f]  }
0xe9: {  	(v2sf) =	vpush v19, $0xF;
	[tilespmem:s30], [sflag:$0x2] =	stream.strided.gather [hbm4b:s29+s14], $0x800, s13, s14, $0x38;
	[tilespmem:$0x10A00] =	vst v63  }
0xea: {  	s31 =	spop (v2sf);
	s30 =	sld [smem:$0x7F7]  }
0xeb: {  	[tilespmem:s23], [sflag:$0x1] =	stream.strided.gather [hbm4b:s31+s14], $0x800, s13, s14, $0x38;
	[tilespmem:$0x10A00] =	vst v63  }
0xec: {  	s29 =	spop (v2sf);
	s23 =	sld [smem:$0x7F8]  }
0xed: {  	[tilespmem:s30], [sflag:$0x2] =	stream.strided.gather [hbm4b:s29+s14], $0x800, s13, s14, $0x38;
	[tilespmem:$0x10A00] =	vst v63  }
0xee: {  	s31 =	spop (v2sf);
	s30 =	sld [smem:$0x7F9]  }
0xef: {  	[tilespmem:s23], [sflag:$0x1] =	stream.strided.gather [hbm4b:s31+s14], $0x800, s13, s14, $0x38;
	[tilespmem:$0x10A00] =	vst v63  }
0xf0: {  	s29 =	spop (v2sf);
	s23 =	sld [smem:$0x7FA]  }
0xf1: {  	[tilespmem:s30], [sflag:$0x2] =	stream.strided.gather [hbm4b:s29+s14], $0x800, s13, s14, $0x38;
	[tilespmem:$0x10A00] =	vst v63  }
0xf2: {  	s31 =	spop (v2sf);
	s30 =	sld [smem:$0x7FB]  }
0xf3: {  	[tilespmem:s23], [sflag:$0x1] =	stream.strided.gather [hbm4b:s31+s14], $0x800, s13, s14, $0x38;
	[tilespmem:$0x10A00] =	vst v63  }
0xf4: {  	s29 =	spop (v2sf);
	s23 =	sld [smem:$0x7FC]  }
0xf5: {  	[tilespmem:s30], [sflag:$0x2] =	stream.strided.gather [hbm4b:s29+s14], $0x800, s13, s14, $0x38;
	[tilespmem:$0x10A00] =	vst v63  }
0xf6: {  	s31 =	spop (v2sf);
	s30 =	sld [smem:$0x7FD]  }
0xf7: {  	[tilespmem:s23], [sflag:$0x1] =	stream.strided.gather [hbm4b:s31+s14], $0x800, s13, s14, $0x38;
	[tilespmem:$0x10A00] =	vst v63  }
0xf8: {  	s29 =	spop (v2sf)  }
0xf9: {  	[tilespmem:s30], [sflag:$0x2] =	stream.strided.gather [hbm4b:s29+s14], $0x800, s13, s14, $0x38;
	[tilespmem:$0x10A00] =	vst v63  }
0xfa: {  	_ =	swait.ge [sflag:s16], $0x8000  }
0xfb: {  	v18 =	vor.u32 v1, v17;
	[sflag:s16] =	ssyncset.done $0x0  }
0xfc: {  	v19 =	vor.u32 v1, v16;
	[sflag:s16] =	ssyncadd.s32 $0xFFFF8000  }
0xfd: {  	v21 =	vor.u32 v0, v17;
	_ =	swait.ge [sflag:s17], $0x8000  }
0xfe: {  	[sflag:s17] =	ssyncset.done $0x0  }
0xff: {  	v22 =	vor.u32 v0, v16;
	[sflag:s17] =	ssyncadd.s32 $0xFFFF8000  }
0x100: {  	v18 =	vld.idx.msk [tilespmem:v18+s14+$0x0], $0xffff  }
0x101: {  	s25 =	smov.u32 s24;
	v23 =	vor.u32 v2, v17;
	v19 =	vld.idx.msk [tilespmem:v19+s15+$0x0], $0xffff  }
0x102: {  	v27 =	vor.u32 v3, v16;
	s23 =	sshra.s32 s25, $0x2;
	v24 =	vld.idx.msk [tilespmem:v21+s14+$0x0], $0xffff  }
0x103: {  	v21 =	vor.u32 v2, v16;
	v25 =	vld [tilespmem:s23+$0x0]  }
0x104: {  	v26 =	vor.u32 v3, v17;
	v22 =	vld.idx.msk [tilespmem:v22+s15+$0x0], $0xffff  }
0x105: {  	v29 =	vor.u32 v4, v17;
	v28 =	vld [tilespmem:s23+$0x200]  }
0x106: {  	v56 =	vor.u32 v5, v17;
	v30 =	vld.idx.msk [tilespmem:v23+s14+$0x0], $0xffff  }
0x107: {  	v23 =	vor.u32 v4, v16;
	v27 =	vld.idx.msk [tilespmem:v27+s15+$0x0], $0xffff  }
0x108: {  	v58 =	vor.u32 v6, v16;
	v31 =	vmul.f32 v19, v18;
	v55 =	vld.idx.msk [tilespmem:v21+s15+$0x0], $0xffff  }
0x109: {  	v18 =	vand.u32 $0xFFFFFF80, v25;
	v21 =	vand.u32 $0x7F, v25;
	v25 =	vld.idx.msk [tilespmem:v26+s14+$0x0], $0xffff;
	v26 =	vor.u32 v5, v16  }
0x10a: {  	v57 =	vor.u32 v6, v17;
	v29 =	vld.idx.msk [tilespmem:v29+s14+$0x0], $0xffff;
	v24 =	vmul.f32 v22, v24  }
0x10b: {  	v60 =	vor.u32 v7, v17;
	v38 =	vld.idx.msk [tilespmem:v56+s14+$0x0], $0xffff  }
0x10c: {  	v39 =	vor.u32 v7, v16;
	v59 =	vld.idx.msk [tilespmem:v23+s15+$0x0], $0xffff;
	v24 =	vadd.f32 $0.0e+00, v24  }
0x10d: {  	v62 =	vor.u32 v8, v16;
	v19 =	vand.u32 $0xFFFFFF80, v28;
	v22 =	vand.u32 $0x7F, v28;
	v28 =	vld.idx.msk [tilespmem:v58+s15+$0x0], $0xffff  }
0x10e: {  	v31 =	vadd.f32 v31, v24;
	v30 =	vmul.f32 v55, v30;
	v61 =	vld.idx.msk [tilespmem:v26+s15+$0x0], $0xffff;
	v26 =	vor.u32 v8, v17  }
0x10f: {  	p0 =	sne.s32 s24, $0x7C0;
	v40 =	vor.u32 v9, v17;
	v24 =	vld.idx.msk [tilespmem:v57+s14+$0x0], $0xffff  }
.Ltmp0:
0x110: {  	v35 =	vor.u32 v10, v17;
	v27 =	vmul.f32 v27, v25;
	v25 =	vld.idx.msk [tilespmem:v60+s14+$0x0], $0xffff;
	v30 =	vadd.f32 v30, v31;
	(pc) =	sbr.rel @p0 .LBB2_2-.Ltmp0, $4  }
0x111: {  	v34 =	vor.u32 v11, v17;
	v33 =	vor.u32 v9, v16;
	s30 =	rddreg [dreg:$0x7];
	v63 =	vmul.f32 v59, v29;
	v29 =	vld.idx.msk [tilespmem:v39+s15+$0x0], $0xffff  }
0x112: {  	v32 =	vor.u32 v11, v16;
	s31 =	rddreg [dreg:$0x8];
	v18 =	vadd.s32 s30, v18;
	v27 =	vadd.f32 v27, v30;
	v30 =	vld.idx.msk [tilespmem:v62+s15+$0x0], $0xffff  }
0x113: {  	v19 =	vadd.s32 s31, v19;
	v23 =	vor.u32 v12, v21;
	(v2sf) =	vpush v18, $0x0;
	v26 =	vld.idx.msk [tilespmem:v26+s14+$0x0], $0xffff  }
0x114: {  	s24 =	sadd.s32 $0x40, s24;
	v31 =	vor.u32 v10, v16;
	v36 =	vmul.f32 v61, v38;
	v37 =	vadd.f32 v63, v27;
	v27 =	vld.idx.msk [tilespmem:v40+s14+$0x0], $0xffff  }
0x115: {  	_ =	sdelay $0x2  }
0x116: {  	v24 =	vmul.f32 v28, v24;
	v52 =	vadd.f32 v36, v37  }
0x117: {  	v33 =	vld.idx.msk [tilespmem:v33+s15+$0x0], $0xffff  }
0x118: {  	v35 =	vld.idx.msk [tilespmem:v35+s14+$0x0], $0xffff;
	v53 =	vor.u32 v12, v16;
	v25 =	vmul.f32 v29, v25;
	v24 =	vadd.f32 v24, v52  }
0x119: {  	v54 =	vld.idx.msk [tilespmem:v31+s15+$0x0], $0xffff;
	v55 =	vor.u32 v13, v17  }
0x11a: {  	v56 =	vld.idx.msk [tilespmem:v34+s14+$0x0], $0xffff;
	v57 =	vor.u32 v13, v16;
	v26 =	vmul.f32 v30, v26;
	v24 =	vadd.f32 v25, v24  }
0x11b: {  	v58 =	vld.idx.msk [tilespmem:v32+s15+$0x0], $0xffff;
	v59 =	vor.u32 v14, v17  }
0x11c: {  	v20 =	vld.idx.msk [tilespmem:v20+s14+$0x0], $0xffff;
	v60 =	vor.u32 v14, v16;
	v27 =	vmul.f32 v33, v27;
	v24 =	vadd.f32 v26, v24  }
0x11d: {  	v17 =	vor.u32 v15, v17;
	v61 =	vld.idx.msk [tilespmem:v53+s15+$0x0], $0xffff  }
0x11e: {  	v16 =	vor.u32 v15, v16;
	v29 =	vld.idx.msk [tilespmem:v55+s14+$0x0], $0xffff;
	v28 =	vmul.f32 v54, v35;
	v24 =	vadd.f32 v27, v24  }
0x11f: {  	(v2sf) =	vpush v19, $0x0;
	v62 =	vld.idx.msk [tilespmem:v57+s15+$0x0], $0xffff  }
0x120: {  	v30 =	vld.idx.msk [tilespmem:v59+s14+$0x0], $0xffff;
	v25 =	vmul.f32 v58, v56;
	v24 =	vadd.f32 v28, v24  }
0x121: {  	(v2sf) =	vpush v18, $0x1;
	v63 =	vld.idx.msk [tilespmem:v60+s15+$0x0], $0xffff  }
0x122: {  	v17 =	vld.idx.msk [tilespmem:v17+s14+$0x0], $0xffff;
	v20 =	vmul.f32 v61, v20;
	v24 =	vadd.f32 v25, v24  }
0x123: {  	(v2sf) =	vpush v19, $0x1;
	v16 =	vld.idx.msk [tilespmem:v16+s15+$0x0], $0xffff  }
0x124: {  	v29 =	vmul.f32 v62, v29;
	v20 =	vadd.f32 v20, v24  }
0x125: {  	(v2sf) =	vpush v18, $0x2  }
0x126: {  	v31 =	vmul.f32 v63, v30;
	v20 =	vadd.f32 v29, v20  }
0x127: {  	(v2sf) =	vpush v19, $0x2  }
0x128: {  	v16 =	vmul.f32 v16, v17;
	v17 =	vadd.f32 v31, v20  }
0x129: {  	(v2sf) =	vpush v18, $0x3  }
0x12a: {  	v16 =	vadd.f32 v16, v17  }
0x12b: {  	(v2sf) =	vpush v19, $0x3  }
0x12c: {  	s24 =	spop (v2sf);
	[tilespmem:s22+$0x10800] =	vst v16  }
0x12d: {  	(v2sf) =	vpush v18, $0x4;
	[tilespmem:s14], [sflag:$0x1] =	stream.strided.gather [hbm4b:s24+s14], $0x800, s13, s14, $0x38;
	[tilespmem:$0x10A00] =	vst v63  }
0x12e: {  	s26 =	rddreg [dreg:$0x9];
	s28 =	spop (v2sf)  }
0x12f: {  	(v2sf) =	vpush v19, $0x4;
	[tilespmem:s15], [sflag:$0x2] =	stream.strided.gather [hbm4b:s28+s14], $0x800, s13, s14, $0x38;
	[tilespmem:$0x10A00] =	vst v63  }
0x130: {  	s29 =	rddreg [dreg:$0xa];
	s25 =	spop (v2sf)  }
0x131: {  	(v2sf) =	vpush v18, $0x5;
	[tilespmem:s26], [sflag:$0x1] =	stream.strided.gather [hbm4b:s25+s14], $0x800, s13, s14, $0x38;
	[tilespmem:$0x10A00] =	vst v63  }
0x132: {  	s30 =	rddreg [dreg:$0xb];
	s31 =	spop (v2sf)  }
0x133: {  	(v2sf) =	vpush v19, $0x5;
	[tilespmem:s29], [sflag:$0x2] =	stream.strided.gather [hbm4b:s31+s14], $0x800, s13, s14, $0x38;
	[tilespmem:$0x10A00] =	vst v63  }
0x134: {  	s28 =	spop (v2sf);
	s26 =	rddreg [dreg:$0xc]  }
0x135: {  	(v2sf) =	vpush v18, $0x6;
	[tilespmem:s30], [sflag:$0x1] =	stream.strided.gather [hbm4b:s28+s14], $0x800, s13, s14, $0x38;
	[tilespmem:$0x10A00] =	vst v63  }
0x136: {  	s29 =	rddreg [dreg:$0xd];
	s30 =	spop (v2sf)  }
0x137: {  	(v2sf) =	vpush v19, $0x6;
	[tilespmem:s26], [sflag:$0x2] =	stream.strided.gather [hbm4b:s30+s14], $0x800, s13, s14, $0x38;
	[tilespmem:$0x10A00] =	vst v63  }
0x138: {  	s31 =	rddreg [dreg:$0xe];
	s26 =	spop (v2sf)  }
0x139: {  	(v2sf) =	vpush v18, $0x7;
	[tilespmem:s29], [sflag:$0x1] =	stream.strided.gather [hbm4b:s26+s14], $0x800, s13, s14, $0x38;
	[tilespmem:$0x10A00] =	vst v63  }
0x13a: {  	s28 =	rddreg [dreg:$0xf];
	s29 =	spop (v2sf)  }
0x13b: {  	(v2sf) =	vpush v19, $0x7;
	[tilespmem:s31], [sflag:$0x2] =	stream.strided.gather [hbm4b:s29+s14], $0x800, s13, s14, $0x38;
	[tilespmem:$0x10A00] =	vst v63  }
0x13c: {  	s30 =	rddreg [dreg:$0x10];
	s31 =	spop (v2sf)  }
0x13d: {  	(v2sf) =	vpush v18, $0x8;
	[tilespmem:s28], [sflag:$0x1] =	stream.strided.gather [hbm4b:s31+s14], $0x800, s13, s14, $0x38;
	[tilespmem:$0x10A00] =	vst v63  }
0x13e: {  	s26 =	rddreg [dreg:$0x11];
	s28 =	spop (v2sf)  }
0x13f: {  	(v2sf) =	vpush v19, $0x8;
	[tilespmem:s30], [sflag:$0x2] =	stream.strided.gather [hbm4b:s28+s14], $0x800, s13, s14, $0x38;
	[tilespmem:$0x10A00] =	vst v63  }
0x140: {  	s29 =	rddreg [dreg:$0x12];
	s30 =	spop (v2sf)  }
0x141: {  	(v2sf) =	vpush v18, $0x9;
	[tilespmem:s26], [sflag:$0x1] =	stream.strided.gather [hbm4b:s30+s14], $0x800, s13, s14, $0x38;
	[tilespmem:$0x10A00] =	vst v63  }
0x142: {  	s31 =	rddreg [dreg:$0x13];
	s26 =	spop (v2sf)  }
0x143: {  	(v2sf) =	vpush v19, $0x9;
	[tilespmem:s29], [sflag:$0x2] =	stream.strided.gather [hbm4b:s26+s14], $0x800, s13, s14, $0x38;
	[tilespmem:$0x10A00] =	vst v63  }
0x144: {  	s28 =	rddreg [dreg:$0x14];
	s29 =	spop (v2sf)  }
0x145: {  	(v2sf) =	vpush v18, $0xA;
	[tilespmem:s31], [sflag:$0x1] =	stream.strided.gather [hbm4b:s29+s14], $0x800, s13, s14, $0x38;
	[tilespmem:$0x10A00] =	vst v63  }
0x146: {  	s30 =	rddreg [dreg:$0x15];
	s31 =	spop (v2sf)  }
0x147: {  	(v2sf) =	vpush v19, $0xA;
	[tilespmem:s28], [sflag:$0x2] =	stream.strided.gather [hbm4b:s31+s14], $0x800, s13, s14, $0x38;
	[tilespmem:$0x10A00] =	vst v63  }
0x148: {  	s26 =	rddreg [dreg:$0x16];
	s28 =	spop (v2sf)  }
0x149: {  	(v2sf) =	vpush v18, $0xB;
	[tilespmem:s30], [sflag:$0x1] =	stream.strided.gather [hbm4b:s28+s14], $0x800, s13, s14, $0x38;
	[tilespmem:$0x10A00] =	vst v63  }
0x14a: {  	s29 =	rddreg [dreg:$0x17];
	s30 =	spop (v2sf)  }
0x14b: {  	(v2sf) =	vpush v19, $0xB;
	[tilespmem:s26], [sflag:$0x2] =	stream.strided.gather [hbm4b:s30+s14], $0x800, s13, s14, $0x38;
	[tilespmem:$0x10A00] =	vst v63  }
0x14c: {  	s31 =	rddreg [dreg:$0x18];
	s26 =	spop (v2sf)  }
0x14d: {  	(v2sf) =	vpush v18, $0xC;
	[tilespmem:s29], [sflag:$0x1] =	stream.strided.gather [hbm4b:s26+s14], $0x800, s13, s14, $0x38;
	[tilespmem:$0x10A00] =	vst v63  }
0x14e: {  	s28 =	rddreg [dreg:$0x19];
	s29 =	spop (v2sf)  }
0x14f: {  	(v2sf) =	vpush v19, $0xC;
	[tilespmem:s31], [sflag:$0x2] =	stream.strided.gather [hbm4b:s29+s14], $0x800, s13, s14, $0x38;
	[tilespmem:$0x10A00] =	vst v63  }
0x150: {  	s30 =	rddreg [dreg:$0x1a];
	s31 =	spop (v2sf)  }
0x151: {  	(v2sf) =	vpush v18, $0xD;
	[tilespmem:s28], [sflag:$0x1] =	stream.strided.gather [hbm4b:s31+s14], $0x800, s13, s14, $0x38;
	[tilespmem:$0x10A00] =	vst v63  }
0x152: {  	s26 =	rddreg [dreg:$0x1b];
	s28 =	spop (v2sf)  }
0x153: {  	(v2sf) =	vpush v19, $0xD;
	[tilespmem:s30], [sflag:$0x2] =	stream.strided.gather [hbm4b:s28+s14], $0x800, s13, s14, $0x38;
	[tilespmem:$0x10A00] =	vst v63  }
0x154: {  	s29 =	rddreg [dreg:$0x1c];
	s30 =	spop (v2sf)  }
0x155: {  	(v2sf) =	vpush v18, $0xE;
	[tilespmem:s26], [sflag:$0x1] =	stream.strided.gather [hbm4b:s30+s14], $0x800, s13, s14, $0x38;
	[tilespmem:$0x10A00] =	vst v63  }
0x156: {  	s31 =	rddreg [dreg:$0x1d];
	s26 =	spop (v2sf)  }
0x157: {  	(v2sf) =	vpush v19, $0xE;
	[tilespmem:s29], [sflag:$0x2] =	stream.strided.gather [hbm4b:s26+s14], $0x800, s13, s14, $0x38;
	[tilespmem:$0x10A00] =	vst v63  }
0x158: {  	s28 =	rddreg [dreg:$0x1e];
	s29 =	spop (v2sf)  }
0x159: {  	(v2sf) =	vpush v18, $0xF;
	[tilespmem:s31], [sflag:$0x1] =	stream.strided.gather [hbm4b:s29+s14], $0x800, s13, s14, $0x38;
	[tilespmem:$0x10A00] =	vst v63  }
0x15a: {  	s30 =	rddreg [dreg:$0x1f];
	s31 =	spop (v2sf)  }
0x15b: {  	(v2sf) =	vpush v19, $0xF;
	[tilespmem:s28], [sflag:$0x2] =	stream.strided.gather [hbm4b:s31+s14], $0x800, s13, s14, $0x38;
	[tilespmem:$0x10A00] =	vst v63  }
0x15c: {  	s26 =	sld [smem:$0x7F7];
	s28 =	spop (v2sf)  }
0x15d: {  	[tilespmem:s30], [sflag:$0x1] =	stream.strided.gather [hbm4b:s28+s14], $0x800, s13, s14, $0x38;
	[tilespmem:$0x10A00] =	vst v63  }
0x15e: {  	s29 =	sld [smem:$0x7F8];
	s30 =	spop (v2sf)  }
0x15f: {  	[tilespmem:s26], [sflag:$0x2] =	stream.strided.gather [hbm4b:s30+s14], $0x800, s13, s14, $0x38;
	[tilespmem:$0x10A00] =	vst v63  }
0x160: {  	s31 =	sld [smem:$0x7F9];
	s26 =	spop (v2sf)  }
0x161: {  	[tilespmem:s29], [sflag:$0x1] =	stream.strided.gather [hbm4b:s26+s14], $0x800, s13, s14, $0x38;
	[tilespmem:$0x10A00] =	vst v63  }
0x162: {  	s28 =	sld [smem:$0x7FA];
	s29 =	spop (v2sf)  }
0x163: {  	[tilespmem:s31], [sflag:$0x2] =	stream.strided.gather [hbm4b:s29+s14], $0x800, s13, s14, $0x38;
	[tilespmem:$0x10A00] =	vst v63  }
0x164: {  	s30 =	sld [smem:$0x7FB];
	s31 =	spop (v2sf)  }
0x165: {  	[tilespmem:s28], [sflag:$0x1] =	stream.strided.gather [hbm4b:s31+s14], $0x800, s13, s14, $0x38;
	[tilespmem:$0x10A00] =	vst v63  }
0x166: {  	s26 =	sld [smem:$0x7FC];
	s28 =	spop (v2sf)  }
0x167: {  	[tilespmem:s30], [sflag:$0x2] =	stream.strided.gather [hbm4b:s28+s14], $0x800, s13, s14, $0x38;
	[tilespmem:$0x10A00] =	vst v63  }
0x168: {  	s29 =	sld [smem:$0x7FD];
	s30 =	spop (v2sf)  }
0x169: {  	[tilespmem:s26], [sflag:$0x1] =	stream.strided.gather [hbm4b:s30+s14], $0x800, s13, s14, $0x38;
	[tilespmem:$0x10A00] =	vst v63  }
0x16a: {  	s31 =	spop (v2sf)  }
0x16b: {  	[tilespmem:s29], [sflag:$0x2] =	stream.strided.gather [hbm4b:s31+s14], $0x800, s13, s14, $0x38;
	[tilespmem:$0x10A00] =	vst v63  }
0x16c: {  	_ =	swait.ge [sflag:s16], $0x8000  }
0x16d: {  	v16 =	vor.u32 v0, v21;
	[sflag:s16] =	ssyncset.done $0x0  }
0x16e: {  	v17 =	vor.u32 v0, v22;
	[sflag:s16] =	ssyncadd.s32 $0xFFFF8000  }
0x16f: {  	v18 =	vor.u32 v1, v21;
	_ =	swait.ge [sflag:s17], $0x8000  }
0x170: {  	v19 =	vor.u32 v1, v22;
	[sflag:s17] =	ssyncset.done $0x0  }
0x171: {  	v32 =	vor.u32 v2, v21;
	[sflag:s17] =	ssyncadd.s32 $0xFFFF8000  }
0x172: {  	v33 =	vor.u32 v2, v22;
	v16 =	vld.idx.msk [tilespmem:v16+s14+$0x0], $0xffff  }
0x173: {  	v34 =	vor.u32 v3, v21;
	v17 =	vld.idx.msk [tilespmem:v17+s15+$0x0], $0xffff  }
0x174: {  	v35 =	vor.u32 v3, v22;
	v18 =	vld.idx.msk [tilespmem:v18+s14+$0x0], $0xffff  }
0x175: {  	v36 =	vor.u32 v4, v21;
	v19 =	vld.idx.msk [tilespmem:v19+s15+$0x0], $0xffff  }
0x176: {  	v37 =	vor.u32 v4, v22;
	v20 =	vld.idx.msk [tilespmem:v32+s14+$0x0], $0xffff  }
0x177: {  	v38 =	vor.u32 v5, v21;
	v24 =	vld.idx.msk [tilespmem:v33+s15+$0x0], $0xffff  }
0x178: {  	v39 =	vor.u32 v5, v22;
	v25 =	vld.idx.msk [tilespmem:v34+s14+$0x0], $0xffff;
	v16 =	vmul.f32 v17, v16  }
0x179: {  	v40 =	vor.u32 v6, v21;
	v17 =	vld.idx.msk [tilespmem:v35+s15+$0x0], $0xffff  }
0x17a: {  	v27 =	vld.idx.msk [tilespmem:v36+s14+$0x0], $0xffff;
	v18 =	vmul.f32 v19, v18;
	v19 =	vor.u32 v6, v22;
	v16 =	vadd.f32 $0.0e+00, v16  }
0x17b: {  	v41 =	vor.u32 v7, v21;
	v28 =	vld.idx.msk [tilespmem:v37+s15+$0x0], $0xffff  }
0x17c: {  	v42 =	vor.u32 v7, v22;
	v29 =	vld.idx.msk [tilespmem:v38+s14+$0x0], $0xffff;
	v20 =	vmul.f32 v24, v20;
	v16 =	vadd.f32 v18, v16  }
0x17d: {  	v44 =	vor.u32 v8, v22;
	v18 =	vld.idx.msk [tilespmem:v39+s15+$0x0], $0xffff  }
0x17e: {  	v43 =	vor.u32 v8, v21;
	v26 =	vld.idx.msk [tilespmem:v40+s14+$0x0], $0xffff;
	v17 =	vmul.f32 v17, v25;
	v16 =	vadd.f32 v20, v16  }
0x17f: {  	v45 =	vor.u32 v9, v21;
	v19 =	vld.idx.msk [tilespmem:v19+s15+$0x0], $0xffff  }
0x180: {  	v47 =	vor.u32 v9, v22;
	v46 =	vld.idx.msk [tilespmem:v41+s14+$0x0], $0xffff;
	v27 =	vmul.f32 v28, v27;
	v16 =	vadd.f32 v17, v16  }
0x181: {  	v48 =	vor.u32 v10, v21;
	v17 =	vld.idx.msk [tilespmem:v42+s15+$0x0], $0xffff  }
0x182: {  	v49 =	vor.u32 v10, v22;
	v50 =	vld.idx.msk [tilespmem:v44+s15+$0x0], $0xffff;
	v18 =	vmul.f32 v18, v29;
	v16 =	vadd.f32 v27, v16  }
0x183: {  	v51 =	vor.u32 v11, v21;
	v24 =	vld.idx.msk [tilespmem:v43+s14+$0x0], $0xffff  }
0x184: {  	v52 =	vor.u32 v11, v22;
	v20 =	vld.idx.msk [tilespmem:v45+s14+$0x0], $0xffff;
	v19 =	vmul.f32 v19, v26;
	v16 =	vadd.f32 v18, v16  }
0x185: {  	v18 =	vld.idx.msk [tilespmem:v47+s15+$0x0], $0xffff  }
0x186: {  	v54 =	vor.u32 v12, v22;
	v53 =	vld.idx.msk [tilespmem:v48+s14+$0x0], $0xffff;
	v17 =	vmul.f32 v17, v46;
	v16 =	vadd.f32 v19, v16  }
0x187: {  	v55 =	vor.u32 v13, v21;
	v19 =	vld.idx.msk [tilespmem:v49+s15+$0x0], $0xffff  }
0x188: {  	v56 =	vor.u32 v13, v22;
	v24 =	vmul.f32 v50, v24;
	v29 =	vld.idx.msk [tilespmem:v51+s14+$0x0], $0xffff;
	v16 =	vadd.f32 v17, v16  }
0x189: {  	v57 =	vor.u32 v14, v21;
	v17 =	vld.idx.msk [tilespmem:v52+s15+$0x0], $0xffff  }
0x18a: {  	v58 =	vor.u32 v14, v22;
	v23 =	vld.idx.msk [tilespmem:v23+s14+$0x0], $0xffff;
	v18 =	vmul.f32 v18, v20;
	v16 =	vadd.f32 v24, v16  }
0x18b: {  	v60 =	vor.u32 v15, v21;
	v59 =	vld.idx.msk [tilespmem:v54+s15+$0x0], $0xffff  }
0x18c: {  	v62 =	vor.u32 v15, v22;
	v61 =	vld.idx.msk [tilespmem:v55+s14+$0x0], $0xffff;
	v19 =	vmul.f32 v19, v53;
	v16 =	vadd.f32 v18, v16  }
0x18d: {  	v18 =	vld.idx.msk [tilespmem:v56+s15+$0x0], $0xffff  }
0x18e: {  	v63 =	vld.idx.msk [tilespmem:v57+s14+$0x0], $0xffff;
	v17 =	vmul.f32 v17, v29;
	v16 =	vadd.f32 v19, v16  }
0x18f: {  	v19 =	vld.idx.msk [tilespmem:v58+s15+$0x0], $0xffff  }
0x190: {  	v21 =	vld.idx.msk [tilespmem:v60+s14+$0x0], $0xffff;
	v20 =	vmul.f32 v59, v23;
	v16 =	vadd.f32 v17, v16  }
0x191: {  	v17 =	vld.idx.msk [tilespmem:v62+s15+$0x0], $0xffff  }
0x192: {  	v18 =	vmul.f32 v18, v61;
	v16 =	vadd.f32 v20, v16;
	_ =	sdelay $0x1  }
0x193: {  	v19 =	vmul.f32 v19, v63;
	v16 =	vadd.f32 v18, v16;
	_ =	sdelay $0x1  }
0x194: {  	v17 =	vmul.f32 v17, v21;
	v16 =	vadd.f32 v19, v16;
	_ =	sdelay $0x1  }
0x195: {  	v16 =	vadd.f32 v17, v16;
	_ =	sdelay $0x1  }
0x196: {  	[tilespmem:s23+$0x10800] =	vst v16  }
0x197: {  	_ =	swait.ge [sflag:s18], $0x200  }
0x198: {  	[sflag:s18] =	ssyncset.done $0x0  }
0x199: {  	[sflag:s18] =	ssyncadd.s32 $0xFFFFFE00  }
0x19a: {  	_ =	swait.ge [sflag:s19], $0x200  }
0x19b: {  	[sflag:s19] =	ssyncset.done $0x0  }
0x19c: {  	s22 =	simm.s32 $0x0;
	[sflag:s19] =	ssyncadd.s32 $0xFFFFFE00  }
0x19d: {  	s23 =	simm.s32 $0x40;
	v16 =	vld [tilespmem:s22+$0x10400]  }
.LBB2_4:
0x19e: {  	p0 =	sne.s32 s23, $0x7C0;
	v17 =	vld [tilespmem:s22+$0x10800];
	_ =	sdelay $0x1  }
0x19f: {  	v18 =	vld [tilespmem:s22+$0x10600];
	_ =	sdelay $0x2  }
.Ltmp1:
0x1a0: {  	v16 =	vadd.f32 v16, v17;
	(pc) =	sbr.rel @p0 .LBB2_4-.Ltmp1, $4  }
0x1a1: {  	_ = 	snop  }
0x1a2: {  	v17 =	vadd.f32 v18, v16  }
0x1a3: {  	s24 =	sshra.s32 s23, $0x2  }
0x1a4: {  	s23 =	sadd.s32 $0x40, s23;
	v16 =	vld [tilespmem:s24+$0x10400];
	[tilespmem:s22+$0x10800] =	vst v17;
	s22 =	smov.u32 s24  }
0x1a5: {  	v17 =	vld [tilespmem:s22+$0x10800];
	_ =	sdelay $0x1  }
0x1a6: {  	v18 =	vld [tilespmem:s22+$0x10600];
	_ =	sdelay $0x2  }
0x1a7: {  	v16 =	vadd.f32 v16, v17;
	_ =	sdelay $0x1  }
0x1a8: {  	s21 =	sadd.s32 $0x1, s21;
	v16 =	vadd.f32 v18, v16  }
0x1a9: {  	p0 =	sne.s32 s21, s8  }
.Ltmp2:
0x1aa: {  	[tilespmem:s22+$0x10800] =	vst v16;
	(pc) =	sbr.rel @p0 .LBB2_1-.Ltmp2, $4  }
0x1ab: {  	[hbm4b:s7+s2] =	stream.linear.scatter [tilespmem:s20], [sflag:$0x5], $0x200, $0x38;
	[tilespmem:$0x10A00] =	vst v63  }
0x1ac: {  	_ =	swait.ge [sflag:s9], $0x200  }
0x1ad: {  	[sflag:s9] =	ssyncset.done $0x0  }
0x1ae: {  	[sflag:s9] =	ssyncadd.s32 $0xFFFFFE00  }
0x1af: {  	_ =	sfence.sel $0x180000  }
0x1b0: {  	[bflag:$0x0] =	sbarrier.arrive $0xFFFF  }
0x1b1: {  	p0 =	sne.s32 s4, $0x0;
	_ =	strace $0x90000047  }
0x1b2: {  	s0 =	sadd.s32 @!p0 $0x100000, s0;
	[bflag:$0x2] =	sbarrier.arrive $0xFFFF  }
0x1b3: {  	[sflag:s0] =	ssyncadd.tile.s32 @!p0 $0x1;
	_ =	shalt  }
.Lfunc_end2:
_tile_overlayer_lowered:
.L_overlay_start_2:
0x1b4: {  	(tag) =	ssettag $0x2  }
0x1b5: {  	s0 =	rddreg [dreg:$0x0];
	s2 =	stileid.u32  }
0x1b6: {  	s1 =	rddreg [dreg:$0x1];
	p0 =	sne.s32 s2, $0x0  }
0x1b7: {  	s3 =	rddreg [dreg:$0x2];
	[bflag:$0x3] =	sbarrier.arrive $0xFFFF;
	s2 =	simm.s32 @!p0 $0x1C05  }
0x1b8: {  	[timem:s3], [sflag:s2] =	dma.local @!p0 [hbm:s0], s1  }
0x1b9: {  	s0 =	simm.s32 @!p0 $0x5  }
0x1ba: {  	_ =	swait.ge @!p0 [sflag:s0], s1  }
0x1bb: {  	s1 =	ssub.s32 @!p0 $0x0, s1;
	[sflag:s0] =	ssyncset.done @!p0 $0x0  }
0x1bc: {  	[sflag:s0] =	ssyncadd.s32 @!p0 s1  }
0x1bd: {  	[bflag:$0x3] =	sbarrier.arrive $0xFFFF  }
0x1be: {  	_ =	shalt  }

</sc_bundles>
